<compile_context>
chip_gen: v7x
topology: tpu7x:2x2x1
jax: 0.10.2.dev20260603
libtpu: 0.0.44.dev20260713+nightly
codegen_flags: <defaults>
</compile_context>

<pallas_src>
import functools

import jax
import jax.numpy as jnp
from jax import lax
from jax.experimental import pallas as pl
from jax.experimental.pallas import tpu as pltpu
from jax.experimental.pallas import tpu_sc as plsc

_VOCAB = 100002
_HIDDEN = 32
_SAMPLES = 20
_BATCH = 16384
_NC, _NS = 2, 16
_NW = _NC * _NS
_IPW = _BATCH // _NW
_MI = 128
_NMACRO = _IPW // _MI
_PACK = 128 // _HIDDEN

_sc_mesh = plsc.VectorSubcoreMesh(core_axis_name="c", subcore_axis_name="s")


@functools.partial(
    pl.kernel,
    mesh=_sc_mesh,
    out_type=jax.ShapeDtypeStruct((_SAMPLES, _BATCH, _HIDDEN), jnp.float32),
    scratch_types=[
        pltpu.VMEM((_SAMPLES, _MI), jnp.int32),
        pltpu.VMEM((_SAMPLES, _MI, _HIDDEN), jnp.float32),
        pltpu.SemaphoreType.DMA,
    ],
    compiler_params=pltpu.CompilerParams(
        use_tc_tiling_on_sc=False, needs_layout_passes=False
    ),
)
def _gather_sc(idx_hbm, table_hbm, out_hbm, idx_v, rows_v, sem):
    wid = lax.axis_index("s") * _NC + lax.axis_index("c")
    i0 = wid * _IPW

    def body(m, carry):
        r0 = i0 + m * _MI
        pltpu.sync_copy(idx_hbm.at[:, pl.ds(r0, _MI)], idx_v)
        copies = []
        for s in range(_SAMPLES):
            copies.append(
                pltpu.async_copy(
                    table_hbm.at[idx_v.at[s]], rows_v.at[s], sem
                )
            )
        for cp in copies:
            cp.wait()
        pltpu.sync_copy(rows_v, out_hbm.at[:, pl.ds(r0, _MI)])
        return carry

    lax.fori_loop(0, _NMACRO, body, 0)


def _mm_body(x_ref, bd_ref, b_ref, o_ref):
    acc = b_ref[...].astype(jnp.float32)
    for s in range(_SAMPLES):
        acc = acc + lax.dot_general(
            x_ref[s], bd_ref[s],
            (((1,), (0,)), ((), ())),
            preferred_element_type=jnp.float32,
        )
    o_ref[...] = acc


_BM4 = 512


def _project_tc(x3, BD, b128):
    return pl.pallas_call(
        _mm_body,
        grid=(_BATCH // _PACK // _BM4,),
        in_specs=[
            pl.BlockSpec((_SAMPLES, _BM4, 128), lambda i: (0, i, 0)),
            pl.BlockSpec((_SAMPLES, 128, 128), lambda i: (0, 0, 0)),
            pl.BlockSpec((1, 128), lambda i: (0, 0)),
        ],
        out_specs=pl.BlockSpec((_BM4, 128), lambda i: (i, 0)),
        out_shape=jax.ShapeDtypeStruct((_BATCH // _PACK, 128), jnp.float32),
    )(x3, BD, b128)


def kernel(all_values, table, W, b):
    idx_t = all_values.T
    emb = _gather_sc(idx_t, table)
    x3 = emb.reshape(_SAMPLES, _BATCH // _PACK, 128)
    WsT = W.reshape(_HIDDEN, _SAMPLES, _HIDDEN).transpose(1, 2, 0)
    eye4 = jnp.eye(_PACK, dtype=W.dtype)
    BD = jnp.einsum("de,sfh->sdfeh", eye4, WsT).reshape(_SAMPLES, 128, 128)
    b128 = jnp.tile(b, _PACK).reshape(1, 128)
    out = _project_tc(x3, BD, b128)
    return out.reshape(_BATCH, _HIDDEN)

# --- scband reference (transcript-rebuilt; emitter-appended) ---
"""Pipeline reference for scband-int-value-encoder-25348896981742 (READ-ONLY COPY).

The authoritative reference and input builder live on the scoring server;
editing this copy changes nothing except your own understanding.
"""

import jax, jax.numpy as jnp
import numpy as np

VOCAB = 100002  # value_range[1]-value_range[0]+2
HIDDEN = 32
NUM_SAMPLES = 20
BATCH = 16384


def setup_inputs(seed: int = 0) -> dict:
    key = jax.random.key(seed)
    k1, k2, k3, k4 = jax.random.split(key, 4)
    # Pre-mapped integer values (get_int_mapped output lies in [0, VOCAB))
    all_values = jax.random.randint(k1, (BATCH, NUM_SAMPLES), 0, VOCAB, dtype=jnp.int64 if jax.config.jax_enable_x64 else jnp.int32)
    table = jax.random.normal(k2, (VOCAB, HIDDEN), dtype=jnp.float32) * 0.02
    # nn.Linear(num_samples*hidden, hidden): weight [out, in], bias [out]
    W = jax.random.normal(k3, (HIDDEN, NUM_SAMPLES * HIDDEN), dtype=jnp.float32) * 0.02
    b = jax.random.normal(k4, (HIDDEN,), dtype=jnp.float32) * 0.02
    return {"all_values": all_values, "table": table, "W": W, "b": b}


def reference(all_values, table, W, b):
    # IntValueEncoder.forward: embedding lookup -> flatten -> linear
    emb = jnp.take(table, all_values, axis=0)            # [B, S, H]
    concat = emb.reshape(-1, NUM_SAMPLES * HIDDEN)       # [B, S*H]
    val_embed = concat @ W.T + b                          # [B, H]
    return val_embed

if __name__ == "__main__":
    import jax
    _d = setup_inputs()
    print(jax.jit(kernel)(*tuple(_d.values())))

</pallas_src>

<mosaic_0001>
#map = affine_map<(d0, d1) -> (0, 0)>
#map1 = affine_map<(d0, d1) -> (0, 0, 0)>
module attributes {stable_mosaic.version = 14 : i64} {
  func.func @_gather_sc(%arg0: i32, %arg1: i32, %arg2: memref<20x16384xi32, #tpu.memory_space<hbm>>, %arg3: memref<100002x32xf32, #tpu.memory_space<hbm>>, %arg4: memref<20x16384x32xf32, #tpu.memory_space<hbm>>, %arg5: memref<20x128xi32, #tpu.memory_space<vmem>>, %arg6: memref<20x128x32xf32, #tpu.memory_space<vmem>>, %arg7: memref<!tpu.dma_semaphore, #tpu.memory_space<semaphore_mem>>) attributes {dimension_semantics = [#tpu.dimension_semantics<core_parallel>, #tpu.dimension_semantics<subcore_parallel>], iteration_bounds = array<i64: 2, 16>, scalar_prefetch = 0 : i64, scratch_operands = 3 : i64, tpu.core_type = #tpu.core_type<sc_vector_subcore>, window_params = [{transform_indices = #map}, {transform_indices = #map}, {transform_indices = #map1}]} {
    %mul3A = arith.constant 2 : i32
    %mul3A_0 = arith.muli %arg1, %mul3A : i32
    %add3A = arith.addi %mul3A_0, %arg0 : i32
    %mul3A_1 = arith.constant 512 : i32
    %mul3A_2 = arith.muli %add3A, %mul3A_1 : i32
    %scan3A = arith.constant 0 : i32
    %scan3A_3 = arith.constant 0 : i32
    %scan3A_4 = arith.constant 4 : i32
    %scan3A_5 = arith.addi %scan3A_3, %scan3A_4 : i32
    %scan3A_6 = arith.constant 1 : i32
    scf.for %scan3A_8 = %scan3A_3 to %scan3A_5 step %scan3A_6  : i32 {
      %mul3A_9 = arith.constant 128 : i32
      %mul3A_10 = arith.muli %scan3A_8, %mul3A_9 : i32
      %add3A_11 = arith.addi %mul3A_2, %mul3A_10 : i32
      "tpu.region"() ({
        %run_scoped3A = tpu.sem_alloc : memref<!tpu.dma_semaphore, #tpu.memory_space<semaphore_mem>>
        %dma_start3A_490 = arith.constant 0 : i32
        %dma_start3A_491 = tpu.memref_slice %arg2[%dma_start3A_490, %add3A_11] : memref<20x16384xi32, #tpu.memory_space<hbm>> -> memref<20x128xi32, #tpu.memory_space<hbm>>
        %dma_start3A_492 = arith.constant 0 : i32
        %dma_start3A_493 = tpu.memref_slice %arg2[%dma_start3A_492, %add3A_11] : memref<20x16384xi32, #tpu.memory_space<hbm>> -> memref<20x128xi32, #tpu.memory_space<hbm>>
        tpu.enqueue_dma source(%dma_start3A_493 : memref<20x128xi32, #tpu.memory_space<hbm>>) target(%arg5 : memref<20x128xi32, #tpu.memory_space<vmem>>) target_semaphore(%run_scoped3A : memref<!tpu.dma_semaphore, #tpu.memory_space<semaphore_mem>>)
        %dma_wait3A_494 = arith.constant 0 : i32
        %dma_wait3A_495 = tpu.memref_slice %arg2[%dma_wait3A_494, %add3A_11] : memref<20x16384xi32, #tpu.memory_space<hbm>> -> memref<20x128xi32, #tpu.memory_space<hbm>>
        %dma_wait3A_496 = arith.constant 0 : i32
        %dma_wait3A_497 = tpu.memref_slice %arg2[%dma_wait3A_496, %add3A_11] : memref<20x16384xi32, #tpu.memory_space<hbm>> -> memref<20x128xi32, #tpu.memory_space<hbm>>
        tpu.wait_dma2 semaphore(%run_scoped3A : memref<!tpu.dma_semaphore, #tpu.memory_space<semaphore_mem>>) src(%dma_wait3A_497 : memref<20x128xi32, #tpu.memory_space<hbm>>) dst(%arg5 : memref<20x128xi32, #tpu.memory_space<vmem>>)
        tpu.yield
      }) : () -> ()
      %dma_start3A = arith.constant 0 : i32
      %dma_start3A_12 = arith.constant 0 : i32
      %dma_start3A_13 = arith.constant 0 : i32
      %dma_start3A_14 = arith.constant 0 : i32
      %dma_start3A_15 = tpu.memref_slice %arg6[%dma_start3A_12, %dma_start3A_13, %dma_start3A_14] : memref<20x128x32xf32, #tpu.memory_space<vmem>> -> memref<1x128x32xf32, #tpu.memory_space<vmem>>
      %dma_start3A_16 = tpu.memref_squeeze %dma_start3A_15 : memref<1x128x32xf32, #tpu.memory_space<vmem>> -> memref<128x32xf32, #tpu.memory_space<vmem>>
      %dma_start3A_17 = arith.constant 0 : i32
      %dma_start3A_18 = tpu.memref_slice %arg5[%dma_start3A, %dma_start3A_17] : memref<20x128xi32, #tpu.memory_space<vmem>> -> memref<1x128xi32, #tpu.memory_space<vmem>>
      %dma_start3A_19 = tpu.memref_squeeze %dma_start3A_18 : memref<1x128xi32, #tpu.memory_space<vmem>> -> memref<128xi32, #tpu.memory_space<vmem>>
      %dma_start3A_20 = arith.constant 0 : i32
      %dma_start3A_21 = arith.constant 0 : i32
      %dma_start3A_22 = tpu.memref_slice %arg3[%dma_start3A_20, %dma_start3A_21] : memref<100002x32xf32, #tpu.memory_space<hbm>> -> memref<100002x32xf32, #tpu.memory_space<hbm>>
      tpu.enqueue_indirect_dma source(%dma_start3A_22 : memref<100002x32xf32, #tpu.memory_space<hbm>>) target(%dma_start3A_16 : memref<128x32xf32, #tpu.memory_space<vmem>>) offsets(%dma_start3A_19 : memref<128xi32, #tpu.memory_space<vmem>>) semaphore(%arg7 : memref<!tpu.dma_semaphore, #tpu.memory_space<semaphore_mem>>)
      %dma_start3A_23 = arith.constant 1 : i32
      %dma_start3A_24 = arith.constant 1 : i32
      %dma_start3A_25 = arith.constant 0 : i32
      %dma_start3A_26 = arith.constant 0 : i32
      %dma_start3A_27 = tpu.memref_slice %arg6[%dma_start3A_24, %dma_start3A_25, %dma_start3A_26] : memref<20x128x32xf32, #tpu.memory_space<vmem>> -> memref<1x128x32xf32, #tpu.memory_space<vmem>>
      %dma_start3A_28 = tpu.memref_squeeze %dma_start3A_27 : memref<1x128x32xf32, #tpu.memory_space<vmem>> -> memref<128x32xf32, #tpu.memory_space<vmem>>
      %dma_start3A_29 = arith.constant 0 : i32
      %dma_start3A_30 = tpu.memref_slice %arg5[%dma_start3A_23, %dma_start3A_29] : memref<20x128xi32, #tpu.memory_space<vmem>> -> memref<1x128xi32, #tpu.memory_space<vmem>>
      %dma_start3A_31 = tpu.memref_squeeze %dma_start3A_30 : memref<1x128xi32, #tpu.memory_space<vmem>> -> memref<128xi32, #tpu.memory_space<vmem>>
      %dma_start3A_32 = arith.constant 0 : i32
      %dma_start3A_33 = arith.constant 0 : i32
      %dma_start3A_34 = tpu.memref_slice %arg3[%dma_start3A_32, %dma_start3A_33] : memref<100002x32xf32, #tpu.memory_space<hbm>> -> memref<100002x32xf32, #tpu.memory_space<hbm>>
      tpu.enqueue_indirect_dma source(%dma_start3A_34 : memref<100002x32xf32, #tpu.memory_space<hbm>>) target(%dma_start3A_28 : memref<128x32xf32, #tpu.memory_space<vmem>>) offsets(%dma_start3A_31 : memref<128xi32, #tpu.memory_space<vmem>>) semaphore(%arg7 : memref<!tpu.dma_semaphore, #tpu.memory_space<semaphore_mem>>)
      %dma_start3A_35 = arith.constant 2 : i32
      %dma_start3A_36 = arith.constant 2 : i32
      %dma_start3A_37 = arith.constant 0 : i32
      %dma_start3A_38 = arith.constant 0 : i32
      %dma_start3A_39 = tpu.memref_slice %arg6[%dma_start3A_36, %dma_start3A_37, %dma_start3A_38] : memref<20x128x32xf32, #tpu.memory_space<vmem>> -> memref<1x128x32xf32, #tpu.memory_space<vmem>>
      %dma_start3A_40 = tpu.memref_squeeze %dma_start3A_39 : memref<1x128x32xf32, #tpu.memory_space<vmem>> -> memref<128x32xf32, #tpu.memory_space<vmem>>
      %dma_start3A_41 = arith.constant 0 : i32
      %dma_start3A_42 = tpu.memref_slice %arg5[%dma_start3A_35, %dma_start3A_41] : memref<20x128xi32, #tpu.memory_space<vmem>> -> memref<1x128xi32, #tpu.memory_space<vmem>>
      %dma_start3A_43 = tpu.memref_squeeze %dma_start3A_42 : memref<1x128xi32, #tpu.memory_space<vmem>> -> memref<128xi32, #tpu.memory_space<vmem>>
      %dma_start3A_44 = arith.constant 0 : i32
      %dma_start3A_45 = arith.constant 0 : i32
      %dma_start3A_46 = tpu.memref_slice %arg3[%dma_start3A_44, %dma_start3A_45] : memref<100002x32xf32, #tpu.memory_space<hbm>> -> memref<100002x32xf32, #tpu.memory_space<hbm>>
      tpu.enqueue_indirect_dma source(%dma_start3A_46 : memref<100002x32xf32, #tpu.memory_space<hbm>>) target(%dma_start3A_40 : memref<128x32xf32, #tpu.memory_space<vmem>>) offsets(%dma_start3A_43 : memref<128xi32, #tpu.memory_space<vmem>>) semaphore(%arg7 : memref<!tpu.dma_semaphore, #tpu.memory_space<semaphore_mem>>)
      %dma_start3A_47 = arith.constant 3 : i32
      %dma_start3A_48 = arith.constant 3 : i32
      %dma_start3A_49 = arith.constant 0 : i32
      %dma_start3A_50 = arith.constant 0 : i32
      %dma_start3A_51 = tpu.memref_slice %arg6[%dma_start3A_48, %dma_start3A_49, %dma_start3A_50] : memref<20x128x32xf32, #tpu.memory_space<vmem>> -> memref<1x128x32xf32, #tpu.memory_space<vmem>>
      %dma_start3A_52 = tpu.memref_squeeze %dma_start3A_51 : memref<1x128x32xf32, #tpu.memory_space<vmem>> -> memref<128x32xf32, #tpu.memory_space<vmem>>
      %dma_start3A_53 = arith.constant 0 : i32
      %dma_start3A_54 = tpu.memref_slice %arg5[%dma_start3A_47, %dma_start3A_53] : memref<20x128xi32, #tpu.memory_space<vmem>> -> memref<1x128xi32, #tpu.memory_space<vmem>>
      %dma_start3A_55 = tpu.memref_squeeze %dma_start3A_54 : memref<1x128xi32, #tpu.memory_space<vmem>> -> memref<128xi32, #tpu.memory_space<vmem>>
      %dma_start3A_56 = arith.constant 0 : i32
      %dma_start3A_57 = arith.constant 0 : i32
      %dma_start3A_58 = tpu.memref_slice %arg3[%dma_start3A_56, %dma_start3A_57] : memref<100002x32xf32, #tpu.memory_space<hbm>> -> memref<100002x32xf32, #tpu.memory_space<hbm>>
      tpu.enqueue_indirect_dma source(%dma_start3A_58 : memref<100002x32xf32, #tpu.memory_space<hbm>>) target(%dma_start3A_52 : memref<128x32xf32, #tpu.memory_space<vmem>>) offsets(%dma_start3A_55 : memref<128xi32, #tpu.memory_space<vmem>>) semaphore(%arg7 : memref<!tpu.dma_semaphore, #tpu.memory_space<semaphore_mem>>)
      %dma_start3A_59 = arith.constant 4 : i32
      %dma_start3A_60 = arith.constant 4 : i32
      %dma_start3A_61 = arith.constant 0 : i32
      %dma_start3A_62 = arith.constant 0 : i32
      %dma_start3A_63 = tpu.memref_slice %arg6[%dma_start3A_60, %dma_start3A_61, %dma_start3A_62] : memref<20x128x32xf32, #tpu.memory_space<vmem>> -> memref<1x128x32xf32, #tpu.memory_space<vmem>>
      %dma_start3A_64 = tpu.memref_squeeze %dma_start3A_63 : memref<1x128x32xf32, #tpu.memory_space<vmem>> -> memref<128x32xf32, #tpu.memory_space<vmem>>
      %dma_start3A_65 = arith.constant 0 : i32
      %dma_start3A_66 = tpu.memref_slice %arg5[%dma_start3A_59, %dma_start3A_65] : memref<20x128xi32, #tpu.memory_space<vmem>> -> memref<1x128xi32, #tpu.memory_space<vmem>>
      %dma_start3A_67 = tpu.memref_squeeze %dma_start3A_66 : memref<1x128xi32, #tpu.memory_space<vmem>> -> memref<128xi32, #tpu.memory_space<vmem>>
      %dma_start3A_68 = arith.constant 0 : i32
      %dma_start3A_69 = arith.constant 0 : i32
      %dma_start3A_70 = tpu.memref_slice %arg3[%dma_start3A_68, %dma_start3A_69] : memref<100002x32xf32, #tpu.memory_space<hbm>> -> memref<100002x32xf32, #tpu.memory_space<hbm>>
      tpu.enqueue_indirect_dma source(%dma_start3A_70 : memref<100002x32xf32, #tpu.memory_space<hbm>>) target(%dma_start3A_64 : memref<128x32xf32, #tpu.memory_space<vmem>>) offsets(%dma_start3A_67 : memref<128xi32, #tpu.memory_space<vmem>>) semaphore(%arg7 : memref<!tpu.dma_semaphore, #tpu.memory_space<semaphore_mem>>)
      %dma_start3A_71 = arith.constant 5 : i32
      %dma_start3A_72 = arith.constant 5 : i32
      %dma_start3A_73 = arith.constant 0 : i32
      %dma_start3A_74 = arith.constant 0 : i32
      %dma_start3A_75 = tpu.memref_slice %arg6[%dma_start3A_72, %dma_start3A_73, %dma_start3A_74] : memref<20x128x32xf32, #tpu.memory_space<vmem>> -> memref<1x128x32xf32, #tpu.memory_space<vmem>>
      %dma_start3A_76 = tpu.memref_squeeze %dma_start3A_75 : memref<1x128x32xf32, #tpu.memory_space<vmem>> -> memref<128x32xf32, #tpu.memory_space<vmem>>
      %dma_start3A_77 = arith.constant 0 : i32
      %dma_start3A_78 = tpu.memref_slice %arg5[%dma_start3A_71, %dma_start3A_77] : memref<20x128xi32, #tpu.memory_space<vmem>> -> memref<1x128xi32, #tpu.memory_space<vmem>>
      %dma_start3A_79 = tpu.memref_squeeze %dma_start3A_78 : memref<1x128xi32, #tpu.memory_space<vmem>> -> memref<128xi32, #tpu.memory_space<vmem>>
      %dma_start3A_80 = arith.constant 0 : i32
      %dma_start3A_81 = arith.constant 0 : i32
      %dma_start3A_82 = tpu.memref_slice %arg3[%dma_start3A_80, %dma_start3A_81] : memref<100002x32xf32, #tpu.memory_space<hbm>> -> memref<100002x32xf32, #tpu.memory_space<hbm>>
      tpu.enqueue_indirect_dma source(%dma_start3A_82 : memref<100002x32xf32, #tpu.memory_space<hbm>>) target(%dma_start3A_76 : memref<128x32xf32, #tpu.memory_space<vmem>>) offsets(%dma_start3A_79 : memref<128xi32, #tpu.memory_space<vmem>>) semaphore(%arg7 : memref<!tpu.dma_semaphore, #tpu.memory_space<semaphore_mem>>)
      %dma_start3A_83 = arith.constant 6 : i32
      %dma_start3A_84 = arith.constant 6 : i32
      %dma_start3A_85 = arith.constant 0 : i32
      %dma_start3A_86 = arith.constant 0 : i32
      %dma_start3A_87 = tpu.memref_slice %arg6[%dma_start3A_84, %dma_start3A_85, %dma_start3A_86] : memref<20x128x32xf32, #tpu.memory_space<vmem>> -> memref<1x128x32xf32, #tpu.memory_space<vmem>>
      %dma_start3A_88 = tpu.memref_squeeze %dma_start3A_87 : memref<1x128x32xf32, #tpu.memory_space<vmem>> -> memref<128x32xf32, #tpu.memory_space<vmem>>
      %dma_start3A_89 = arith.constant 0 : i32
      %dma_start3A_90 = tpu.memref_slice %arg5[%dma_start3A_83, %dma_start3A_89] : memref<20x128xi32, #tpu.memory_space<vmem>> -> memref<1x128xi32, #tpu.memory_space<vmem>>
      %dma_start3A_91 = tpu.memref_squeeze %dma_start3A_90 : memref<1x128xi32, #tpu.memory_space<vmem>> -> memref<128xi32, #tpu.memory_space<vmem>>
      %dma_start3A_92 = arith.constant 0 : i32
      %dma_start3A_93 = arith.constant 0 : i32
      %dma_start3A_94 = tpu.memref_slice %arg3[%dma_start3A_92, %dma_start3A_93] : memref<100002x32xf32, #tpu.memory_space<hbm>> -> memref<100002x32xf32, #tpu.memory_space<hbm>>
      tpu.enqueue_indirect_dma source(%dma_start3A_94 : memref<100002x32xf32, #tpu.memory_space<hbm>>) target(%dma_start3A_88 : memref<128x32xf32, #tpu.memory_space<vmem>>) offsets(%dma_start3A_91 : memref<128xi32, #tpu.memory_space<vmem>>) semaphore(%arg7 : memref<!tpu.dma_semaphore, #tpu.memory_space<semaphore_mem>>)
      %dma_start3A_95 = arith.constant 7 : i32
      %dma_start3A_96 = arith.constant 7 : i32
      %dma_start3A_97 = arith.constant 0 : i32
      %dma_start3A_98 = arith.constant 0 : i32
      %dma_start3A_99 = tpu.memref_slice %arg6[%dma_start3A_96, %dma_start3A_97, %dma_start3A_98] : memref<20x128x32xf32, #tpu.memory_space<vmem>> -> memref<1x128x32xf32, #tpu.memory_space<vmem>>
      %dma_start3A_100 = tpu.memref_squeeze %dma_start3A_99 : memref<1x128x32xf32, #tpu.memory_space<vmem>> -> memref<128x32xf32, #tpu.memory_space<vmem>>
      %dma_start3A_101 = arith.constant 0 : i32
      %dma_start3A_102 = tpu.memref_slice %arg5[%dma_start3A_95, %dma_start3A_101] : memref<20x128xi32, #tpu.memory_space<vmem>> -> memref<1x128xi32, #tpu.memory_space<vmem>>
      %dma_start3A_103 = tpu.memref_squeeze %dma_start3A_102 : memref<1x128xi32, #tpu.memory_space<vmem>> -> memref<128xi32, #tpu.memory_space<vmem>>
      %dma_start3A_104 = arith.constant 0 : i32
      %dma_start3A_105 = arith.constant 0 : i32
      %dma_start3A_106 = tpu.memref_slice %arg3[%dma_start3A_104, %dma_start3A_105] : memref<100002x32xf32, #tpu.memory_space<hbm>> -> memref<100002x32xf32, #tpu.memory_space<hbm>>
      tpu.enqueue_indirect_dma source(%dma_start3A_106 : memref<100002x32xf32, #tpu.memory_space<hbm>>) target(%dma_start3A_100 : memref<128x32xf32, #tpu.memory_space<vmem>>) offsets(%dma_start3A_103 : memref<128xi32, #tpu.memory_space<vmem>>) semaphore(%arg7 : memref<!tpu.dma_semaphore, #tpu.memory_space<semaphore_mem>>)
      %dma_start3A_107 = arith.constant 8 : i32
      %dma_start3A_108 = arith.constant 8 : i32
      %dma_start3A_109 = arith.constant 0 : i32
      %dma_start3A_110 = arith.constant 0 : i32
      %dma_start3A_111 = tpu.memref_slice %arg6[%dma_start3A_108, %dma_start3A_109, %dma_start3A_110] : memref<20x128x32xf32, #tpu.memory_space<vmem>> -> memref<1x128x32xf32, #tpu.memory_space<vmem>>
      %dma_start3A_112 = tpu.memref_squeeze %dma_start3A_111 : memref<1x128x32xf32, #tpu.memory_space<vmem>> -> memref<128x32xf32, #tpu.memory_space<vmem>>
      %dma_start3A_113 = arith.constant 0 : i32
      %dma_start3A_114 = tpu.memref_slice %arg5[%dma_start3A_107, %dma_start3A_113] : memref<20x128xi32, #tpu.memory_space<vmem>> -> memref<1x128xi32, #tpu.memory_space<vmem>>
      %dma_start3A_115 = tpu.memref_squeeze %dma_start3A_114 : memref<1x128xi32, #tpu.memory_space<vmem>> -> memref<128xi32, #tpu.memory_space<vmem>>
      %dma_start3A_116 = arith.constant 0 : i32
      %dma_start3A_117 = arith.constant 0 : i32
      %dma_start3A_118 = tpu.memref_slice %arg3[%dma_start3A_116, %dma_start3A_117] : memref<100002x32xf32, #tpu.memory_space<hbm>> -> memref<100002x32xf32, #tpu.memory_space<hbm>>
      tpu.enqueue_indirect_dma source(%dma_start3A_118 : memref<100002x32xf32, #tpu.memory_space<hbm>>) target(%dma_start3A_112 : memref<128x32xf32, #tpu.memory_space<vmem>>) offsets(%dma_start3A_115 : memref<128xi32, #tpu.memory_space<vmem>>) semaphore(%arg7 : memref<!tpu.dma_semaphore, #tpu.memory_space<semaphore_mem>>)
      %dma_start3A_119 = arith.constant 9 : i32
      %dma_start3A_120 = arith.constant 9 : i32
      %dma_start3A_121 = arith.constant 0 : i32
      %dma_start3A_122 = arith.constant 0 : i32
      %dma_start3A_123 = tpu.memref_slice %arg6[%dma_start3A_120, %dma_start3A_121, %dma_start3A_122] : memref<20x128x32xf32, #tpu.memory_space<vmem>> -> memref<1x128x32xf32, #tpu.memory_space<vmem>>
      %dma_start3A_124 = tpu.memref_squeeze %dma_start3A_123 : memref<1x128x32xf32, #tpu.memory_space<vmem>> -> memref<128x32xf32, #tpu.memory_space<vmem>>
      %dma_start3A_125 = arith.constant 0 : i32
      %dma_start3A_126 = tpu.memref_slice %arg5[%dma_start3A_119, %dma_start3A_125] : memref<20x128xi32, #tpu.memory_space<vmem>> -> memref<1x128xi32, #tpu.memory_space<vmem>>
      %dma_start3A_127 = tpu.memref_squeeze %dma_start3A_126 : memref<1x128xi32, #tpu.memory_space<vmem>> -> memref<128xi32, #tpu.memory_space<vmem>>
      %dma_start3A_128 = arith.constant 0 : i32
      %dma_start3A_129 = arith.constant 0 : i32
      %dma_start3A_130 = tpu.memref_slice %arg3[%dma_start3A_128, %dma_start3A_129] : memref<100002x32xf32, #tpu.memory_space<hbm>> -> memref<100002x32xf32, #tpu.memory_space<hbm>>
      tpu.enqueue_indirect_dma source(%dma_start3A_130 : memref<100002x32xf32, #tpu.memory_space<hbm>>) target(%dma_start3A_124 : memref<128x32xf32, #tpu.memory_space<vmem>>) offsets(%dma_start3A_127 : memref<128xi32, #tpu.memory_space<vmem>>) semaphore(%arg7 : memref<!tpu.dma_semaphore, #tpu.memory_space<semaphore_mem>>)
      %dma_start3A_131 = arith.constant 10 : i32
      %dma_start3A_132 = arith.constant 10 : i32
      %dma_start3A_133 = arith.constant 0 : i32
      %dma_start3A_134 = arith.constant 0 : i32
      %dma_start3A_135 = tpu.memref_slice %arg6[%dma_start3A_132, %dma_start3A_133, %dma_start3A_134] : memref<20x128x32xf32, #tpu.memory_space<vmem>> -> memref<1x128x32xf32, #tpu.memory_space<vmem>>
      %dma_start3A_136 = tpu.memref_squeeze %dma_start3A_135 : memref<1x128x32xf32, #tpu.memory_space<vmem>> -> memref<128x32xf32, #tpu.memory_space<vmem>>
      %dma_start3A_137 = arith.constant 0 : i32
      %dma_start3A_138 = tpu.memref_slice %arg5[%dma_start3A_131, %dma_start3A_137] : memref<20x128xi32, #tpu.memory_space<vmem>> -> memref<1x128xi32, #tpu.memory_space<vmem>>
      %dma_start3A_139 = tpu.memref_squeeze %dma_start3A_138 : memref<1x128xi32, #tpu.memory_space<vmem>> -> memref<128xi32, #tpu.memory_space<vmem>>
      %dma_start3A_140 = arith.constant 0 : i32
      %dma_start3A_141 = arith.constant 0 : i32
      %dma_start3A_142 = tpu.memref_slice %arg3[%dma_start3A_140, %dma_start3A_141] : memref<100002x32xf32, #tpu.memory_space<hbm>> -> memref<100002x32xf32, #tpu.memory_space<hbm>>
      tpu.enqueue_indirect_dma source(%dma_start3A_142 : memref<100002x32xf32, #tpu.memory_space<hbm>>) target(%dma_start3A_136 : memref<128x32xf32, #tpu.memory_space<vmem>>) offsets(%dma_start3A_139 : memref<128xi32, #tpu.memory_space<vmem>>) semaphore(%arg7 : memref<!tpu.dma_semaphore, #tpu.memory_space<semaphore_mem>>)
      %dma_start3A_143 = arith.constant 11 : i32
      %dma_start3A_144 = arith.constant 11 : i32
      %dma_start3A_145 = arith.constant 0 : i32
      %dma_start3A_146 = arith.constant 0 : i32
      %dma_start3A_147 = tpu.memref_slice %arg6[%dma_start3A_144, %dma_start3A_145, %dma_start3A_146] : memref<20x128x32xf32, #tpu.memory_space<vmem>> -> memref<1x128x32xf32, #tpu.memory_space<vmem>>
      %dma_start3A_148 = tpu.memref_squeeze %dma_start3A_147 : memref<1x128x32xf32, #tpu.memory_space<vmem>> -> memref<128x32xf32, #tpu.memory_space<vmem>>
      %dma_start3A_149 = arith.constant 0 : i32
      %dma_start3A_150 = tpu.memref_slice %arg5[%dma_start3A_143, %dma_start3A_149] : memref<20x128xi32, #tpu.memory_space<vmem>> -> memref<1x128xi32, #tpu.memory_space<vmem>>
      %dma_start3A_151 = tpu.memref_squeeze %dma_start3A_150 : memref<1x128xi32, #tpu.memory_space<vmem>> -> memref<128xi32, #tpu.memory_space<vmem>>
      %dma_start3A_152 = arith.constant 0 : i32
      %dma_start3A_153 = arith.constant 0 : i32
      %dma_start3A_154 = tpu.memref_slice %arg3[%dma_start3A_152, %dma_start3A_153] : memref<100002x32xf32, #tpu.memory_space<hbm>> -> memref<100002x32xf32, #tpu.memory_space<hbm>>
      tpu.enqueue_indirect_dma source(%dma_start3A_154 : memref<100002x32xf32, #tpu.memory_space<hbm>>) target(%dma_start3A_148 : memref<128x32xf32, #tpu.memory_space<vmem>>) offsets(%dma_start3A_151 : memref<128xi32, #tpu.memory_space<vmem>>) semaphore(%arg7 : memref<!tpu.dma_semaphore, #tpu.memory_space<semaphore_mem>>)
      %dma_start3A_155 = arith.constant 12 : i32
      %dma_start3A_156 = arith.constant 12 : i32
      %dma_start3A_157 = arith.constant 0 : i32
      %dma_start3A_158 = arith.constant 0 : i32
      %dma_start3A_159 = tpu.memref_slice %arg6[%dma_start3A_156, %dma_start3A_157, %dma_start3A_158] : memref<20x128x32xf32, #tpu.memory_space<vmem>> -> memref<1x128x32xf32, #tpu.memory_space<vmem>>
      %dma_start3A_160 = tpu.memref_squeeze %dma_start3A_159 : memref<1x128x32xf32, #tpu.memory_space<vmem>> -> memref<128x32xf32, #tpu.memory_space<vmem>>
      %dma_start3A_161 = arith.constant 0 : i32
      %dma_start3A_162 = tpu.memref_slice %arg5[%dma_start3A_155, %dma_start3A_161] : memref<20x128xi32, #tpu.memory_space<vmem>> -> memref<1x128xi32, #tpu.memory_space<vmem>>
      %dma_start3A_163 = tpu.memref_squeeze %dma_start3A_162 : memref<1x128xi32, #tpu.memory_space<vmem>> -> memref<128xi32, #tpu.memory_space<vmem>>
      %dma_start3A_164 = arith.constant 0 : i32
      %dma_start3A_165 = arith.constant 0 : i32
      %dma_start3A_166 = tpu.memref_slice %arg3[%dma_start3A_164, %dma_start3A_165] : memref<100002x32xf32, #tpu.memory_space<hbm>> -> memref<100002x32xf32, #tpu.memory_space<hbm>>
      tpu.enqueue_indirect_dma source(%dma_start3A_166 : memref<100002x32xf32, #tpu.memory_space<hbm>>) target(%dma_start3A_160 : memref<128x32xf32, #tpu.memory_space<vmem>>) offsets(%dma_start3A_163 : memref<128xi32, #tpu.memory_space<vmem>>) semaphore(%arg7 : memref<!tpu.dma_semaphore, #tpu.memory_space<semaphore_mem>>)
      %dma_start3A_167 = arith.constant 13 : i32
      %dma_start3A_168 = arith.constant 13 : i32
      %dma_start3A_169 = arith.constant 0 : i32
      %dma_start3A_170 = arith.constant 0 : i32
      %dma_start3A_171 = tpu.memref_slice %arg6[%dma_start3A_168, %dma_start3A_169, %dma_start3A_170] : memref<20x128x32xf32, #tpu.memory_space<vmem>> -> memref<1x128x32xf32, #tpu.memory_space<vmem>>
      %dma_start3A_172 = tpu.memref_squeeze %dma_start3A_171 : memref<1x128x32xf32, #tpu.memory_space<vmem>> -> memref<128x32xf32, #tpu.memory_space<vmem>>
      %dma_start3A_173 = arith.constant 0 : i32
      %dma_start3A_174 = tpu.memref_slice %arg5[%dma_start3A_167, %dma_start3A_173] : memref<20x128xi32, #tpu.memory_space<vmem>> -> memref<1x128xi32, #tpu.memory_space<vmem>>
      %dma_start3A_175 = tpu.memref_squeeze %dma_start3A_174 : memref<1x128xi32, #tpu.memory_space<vmem>> -> memref<128xi32, #tpu.memory_space<vmem>>
      %dma_start3A_176 = arith.constant 0 : i32
      %dma_start3A_177 = arith.constant 0 : i32
      %dma_start3A_178 = tpu.memref_slice %arg3[%dma_start3A_176, %dma_start3A_177] : memref<100002x32xf32, #tpu.memory_space<hbm>> -> memref<100002x32xf32, #tpu.memory_space<hbm>>
      tpu.enqueue_indirect_dma source(%dma_start3A_178 : memref<100002x32xf32, #tpu.memory_space<hbm>>) target(%dma_start3A_172 : memref<128x32xf32, #tpu.memory_space<vmem>>) offsets(%dma_start3A_175 : memref<128xi32, #tpu.memory_space<vmem>>) semaphore(%arg7 : memref<!tpu.dma_semaphore, #tpu.memory_space<semaphore_mem>>)
      %dma_start3A_179 = arith.constant 14 : i32
      %dma_start3A_180 = arith.constant 14 : i32
      %dma_start3A_181 = arith.constant 0 : i32
      %dma_start3A_182 = arith.constant 0 : i32
      %dma_start3A_183 = tpu.memref_slice %arg6[%dma_start3A_180, %dma_start3A_181, %dma_start3A_182] : memref<20x128x32xf32, #tpu.memory_space<vmem>> -> memref<1x128x32xf32, #tpu.memory_space<vmem>>
      %dma_start3A_184 = tpu.memref_squeeze %dma_start3A_183 : memref<1x128x32xf32, #tpu.memory_space<vmem>> -> memref<128x32xf32, #tpu.memory_space<vmem>>
      %dma_start3A_185 = arith.constant 0 : i32
      %dma_start3A_186 = tpu.memref_slice %arg5[%dma_start3A_179, %dma_start3A_185] : memref<20x128xi32, #tpu.memory_space<vmem>> -> memref<1x128xi32, #tpu.memory_space<vmem>>
      %dma_start3A_187 = tpu.memref_squeeze %dma_start3A_186 : memref<1x128xi32, #tpu.memory_space<vmem>> -> memref<128xi32, #tpu.memory_space<vmem>>
      %dma_start3A_188 = arith.constant 0 : i32
      %dma_start3A_189 = arith.constant 0 : i32
      %dma_start3A_190 = tpu.memref_slice %arg3[%dma_start3A_188, %dma_start3A_189] : memref<100002x32xf32, #tpu.memory_space<hbm>> -> memref<100002x32xf32, #tpu.memory_space<hbm>>
      tpu.enqueue_indirect_dma source(%dma_start3A_190 : memref<100002x32xf32, #tpu.memory_space<hbm>>) target(%dma_start3A_184 : memref<128x32xf32, #tpu.memory_space<vmem>>) offsets(%dma_start3A_187 : memref<128xi32, #tpu.memory_space<vmem>>) semaphore(%arg7 : memref<!tpu.dma_semaphore, #tpu.memory_space<semaphore_mem>>)
      %dma_start3A_191 = arith.constant 15 : i32
      %dma_start3A_192 = arith.constant 15 : i32
      %dma_start3A_193 = arith.constant 0 : i32
      %dma_start3A_194 = arith.constant 0 : i32
      %dma_start3A_195 = tpu.memref_slice %arg6[%dma_start3A_192, %dma_start3A_193, %dma_start3A_194] : memref<20x128x32xf32, #tpu.memory_space<vmem>> -> memref<1x128x32xf32, #tpu.memory_space<vmem>>
      %dma_start3A_196 = tpu.memref_squeeze %dma_start3A_195 : memref<1x128x32xf32, #tpu.memory_space<vmem>> -> memref<128x32xf32, #tpu.memory_space<vmem>>
      %dma_start3A_197 = arith.constant 0 : i32
      %dma_start3A_198 = tpu.memref_slice %arg5[%dma_start3A_191, %dma_start3A_197] : memref<20x128xi32, #tpu.memory_space<vmem>> -> memref<1x128xi32, #tpu.memory_space<vmem>>
      %dma_start3A_199 = tpu.memref_squeeze %dma_start3A_198 : memref<1x128xi32, #tpu.memory_space<vmem>> -> memref<128xi32, #tpu.memory_space<vmem>>
      %dma_start3A_200 = arith.constant 0 : i32
      %dma_start3A_201 = arith.constant 0 : i32
      %dma_start3A_202 = tpu.memref_slice %arg3[%dma_start3A_200, %dma_start3A_201] : memref<100002x32xf32, #tpu.memory_space<hbm>> -> memref<100002x32xf32, #tpu.memory_space<hbm>>
      tpu.enqueue_indirect_dma source(%dma_start3A_202 : memref<100002x32xf32, #tpu.memory_space<hbm>>) target(%dma_start3A_196 : memref<128x32xf32, #tpu.memory_space<vmem>>) offsets(%dma_start3A_199 : memref<128xi32, #tpu.memory_space<vmem>>) semaphore(%arg7 : memref<!tpu.dma_semaphore, #tpu.memory_space<semaphore_mem>>)
      %dma_start3A_203 = arith.constant 16 : i32
      %dma_start3A_204 = arith.constant 16 : i32
      %dma_start3A_205 = arith.constant 0 : i32
      %dma_start3A_206 = arith.constant 0 : i32
      %dma_start3A_207 = tpu.memref_slice %arg6[%dma_start3A_204, %dma_start3A_205, %dma_start3A_206] : memref<20x128x32xf32, #tpu.memory_space<vmem>> -> memref<1x128x32xf32, #tpu.memory_space<vmem>>
      %dma_start3A_208 = tpu.memref_squeeze %dma_start3A_207 : memref<1x128x32xf32, #tpu.memory_space<vmem>> -> memref<128x32xf32, #tpu.memory_space<vmem>>
      %dma_start3A_209 = arith.constant 0 : i32
      %dma_start3A_210 = tpu.memref_slice %arg5[%dma_start3A_203, %dma_start3A_209] : memref<20x128xi32, #tpu.memory_space<vmem>> -> memref<1x128xi32, #tpu.memory_space<vmem>>
      %dma_start3A_211 = tpu.memref_squeeze %dma_start3A_210 : memref<1x128xi32, #tpu.memory_space<vmem>> -> memref<128xi32, #tpu.memory_space<vmem>>
      %dma_start3A_212 = arith.constant 0 : i32
      %dma_start3A_213 = arith.constant 0 : i32
      %dma_start3A_214 = tpu.memref_slice %arg3[%dma_start3A_212, %dma_start3A_213] : memref<100002x32xf32, #tpu.memory_space<hbm>> -> memref<100002x32xf32, #tpu.memory_space<hbm>>
      tpu.enqueue_indirect_dma source(%dma_start3A_214 : memref<100002x32xf32, #tpu.memory_space<hbm>>) target(%dma_start3A_208 : memref<128x32xf32, #tpu.memory_space<vmem>>) offsets(%dma_start3A_211 : memref<128xi32, #tpu.memory_space<vmem>>) semaphore(%arg7 : memref<!tpu.dma_semaphore, #tpu.memory_space<semaphore_mem>>)
      %dma_start3A_215 = arith.constant 17 : i32
      %dma_start3A_216 = arith.constant 17 : i32
      %dma_start3A_217 = arith.constant 0 : i32
      %dma_start3A_218 = arith.constant 0 : i32
      %dma_start3A_219 = tpu.memref_slice %arg6[%dma_start3A_216, %dma_start3A_217, %dma_start3A_218] : memref<20x128x32xf32, #tpu.memory_space<vmem>> -> memref<1x128x32xf32, #tpu.memory_space<vmem>>
      %dma_start3A_220 = tpu.memref_squeeze %dma_start3A_219 : memref<1x128x32xf32, #tpu.memory_space<vmem>> -> memref<128x32xf32, #tpu.memory_space<vmem>>
      %dma_start3A_221 = arith.constant 0 : i32
      %dma_start3A_222 = tpu.memref_slice %arg5[%dma_start3A_215, %dma_start3A_221] : memref<20x128xi32, #tpu.memory_space<vmem>> -> memref<1x128xi32, #tpu.memory_space<vmem>>
      %dma_start3A_223 = tpu.memref_squeeze %dma_start3A_222 : memref<1x128xi32, #tpu.memory_space<vmem>> -> memref<128xi32, #tpu.memory_space<vmem>>
      %dma_start3A_224 = arith.constant 0 : i32
      %dma_start3A_225 = arith.constant 0 : i32
      %dma_start3A_226 = tpu.memref_slice %arg3[%dma_start3A_224, %dma_start3A_225] : memref<100002x32xf32, #tpu.memory_space<hbm>> -> memref<100002x32xf32, #tpu.memory_space<hbm>>
      tpu.enqueue_indirect_dma source(%dma_start3A_226 : memref<100002x32xf32, #tpu.memory_space<hbm>>) target(%dma_start3A_220 : memref<128x32xf32, #tpu.memory_space<vmem>>) offsets(%dma_start3A_223 : memref<128xi32, #tpu.memory_space<vmem>>) semaphore(%arg7 : memref<!tpu.dma_semaphore, #tpu.memory_space<semaphore_mem>>)
      %dma_start3A_227 = arith.constant 18 : i32
      %dma_start3A_228 = arith.constant 18 : i32
      %dma_start3A_229 = arith.constant 0 : i32
      %dma_start3A_230 = arith.constant 0 : i32
      %dma_start3A_231 = tpu.memref_slice %arg6[%dma_start3A_228, %dma_start3A_229, %dma_start3A_230] : memref<20x128x32xf32, #tpu.memory_space<vmem>> -> memref<1x128x32xf32, #tpu.memory_space<vmem>>
      %dma_start3A_232 = tpu.memref_squeeze %dma_start3A_231 : memref<1x128x32xf32, #tpu.memory_space<vmem>> -> memref<128x32xf32, #tpu.memory_space<vmem>>
      %dma_start3A_233 = arith.constant 0 : i32
      %dma_start3A_234 = tpu.memref_slice %arg5[%dma_start3A_227, %dma_start3A_233] : memref<20x128xi32, #tpu.memory_space<vmem>> -> memref<1x128xi32, #tpu.memory_space<vmem>>
      %dma_start3A_235 = tpu.memref_squeeze %dma_start3A_234 : memref<1x128xi32, #tpu.memory_space<vmem>> -> memref<128xi32, #tpu.memory_space<vmem>>
      %dma_start3A_236 = arith.constant 0 : i32
      %dma_start3A_237 = arith.constant 0 : i32
      %dma_start3A_238 = tpu.memref_slice %arg3[%dma_start3A_236, %dma_start3A_237] : memref<100002x32xf32, #tpu.memory_space<hbm>> -> memref<100002x32xf32, #tpu.memory_space<hbm>>
      tpu.enqueue_indirect_dma source(%dma_start3A_238 : memref<100002x32xf32, #tpu.memory_space<hbm>>) target(%dma_start3A_232 : memref<128x32xf32, #tpu.memory_space<vmem>>) offsets(%dma_start3A_235 : memref<128xi32, #tpu.memory_space<vmem>>) semaphore(%arg7 : memref<!tpu.dma_semaphore, #tpu.memory_space<semaphore_mem>>)
      %dma_start3A_239 = arith.constant 19 : i32
      %dma_start3A_240 = arith.constant 19 : i32
      %dma_start3A_241 = arith.constant 0 : i32
      %dma_start3A_242 = arith.constant 0 : i32
      %dma_start3A_243 = tpu.memref_slice %arg6[%dma_start3A_240, %dma_start3A_241, %dma_start3A_242] : memref<20x128x32xf32, #tpu.memory_space<vmem>> -> memref<1x128x32xf32, #tpu.memory_space<vmem>>
      %dma_start3A_244 = tpu.memref_squeeze %dma_start3A_243 : memref<1x128x32xf32, #tpu.memory_space<vmem>> -> memref<128x32xf32, #tpu.memory_space<vmem>>
      %dma_start3A_245 = arith.constant 0 : i32
      %dma_start3A_246 = tpu.memref_slice %arg5[%dma_start3A_239, %dma_start3A_245] : memref<20x128xi32, #tpu.memory_space<vmem>> -> memref<1x128xi32, #tpu.memory_space<vmem>>
      %dma_start3A_247 = tpu.memref_squeeze %dma_start3A_246 : memref<1x128xi32, #tpu.memory_space<vmem>> -> memref<128xi32, #tpu.memory_space<vmem>>
      %dma_start3A_248 = arith.constant 0 : i32
      %dma_start3A_249 = arith.constant 0 : i32
      %dma_start3A_250 = tpu.memref_slice %arg3[%dma_start3A_248, %dma_start3A_249] : memref<100002x32xf32, #tpu.memory_space<hbm>> -> memref<100002x32xf32, #tpu.memory_space<hbm>>
      tpu.enqueue_indirect_dma source(%dma_start3A_250 : memref<100002x32xf32, #tpu.memory_space<hbm>>) target(%dma_start3A_244 : memref<128x32xf32, #tpu.memory_space<vmem>>) offsets(%dma_start3A_247 : memref<128xi32, #tpu.memory_space<vmem>>) semaphore(%arg7 : memref<!tpu.dma_semaphore, #tpu.memory_space<semaphore_mem>>)
      %dma_wait3A = arith.constant 0 : i32
      %dma_wait3A_251 = arith.constant 0 : i32
      %dma_wait3A_252 = arith.constant 0 : i32
      %dma_wait3A_253 = arith.constant 0 : i32
      %dma_wait3A_254 = tpu.memref_slice %arg6[%dma_wait3A_251, %dma_wait3A_252, %dma_wait3A_253] : memref<20x128x32xf32, #tpu.memory_space<vmem>> -> memref<1x128x32xf32, #tpu.memory_space<vmem>>
      %dma_wait3A_255 = tpu.memref_squeeze %dma_wait3A_254 : memref<1x128x32xf32, #tpu.memory_space<vmem>> -> memref<128x32xf32, #tpu.memory_space<vmem>>
      %dma_wait3A_256 = arith.constant 0 : i32
      %dma_wait3A_257 = tpu.memref_slice %arg5[%dma_wait3A, %dma_wait3A_256] : memref<20x128xi32, #tpu.memory_space<vmem>> -> memref<1x128xi32, #tpu.memory_space<vmem>>
      %dma_wait3A_258 = tpu.memref_squeeze %dma_wait3A_257 : memref<1x128xi32, #tpu.memory_space<vmem>> -> memref<128xi32, #tpu.memory_space<vmem>>
      %dma_wait3A_259 = arith.constant 0 : i32
      %dma_wait3A_260 = arith.constant 0 : i32
      %dma_wait3A_261 = tpu.memref_slice %arg3[%dma_wait3A_259, %dma_wait3A_260] : memref<100002x32xf32, #tpu.memory_space<hbm>> -> memref<100002x32xf32, #tpu.memory_space<hbm>>
      tpu.wait_indirect_dma semaphore(%arg7 : memref<!tpu.dma_semaphore, #tpu.memory_space<semaphore_mem>>) src(%dma_wait3A_261 : memref<100002x32xf32, #tpu.memory_space<hbm>>) dst(%dma_wait3A_255 : memref<128x32xf32, #tpu.memory_space<vmem>>)
      %dma_wait3A_262 = arith.constant 1 : i32
      %dma_wait3A_263 = arith.constant 1 : i32
      %dma_wait3A_264 = arith.constant 0 : i32
      %dma_wait3A_265 = arith.constant 0 : i32
      %dma_wait3A_266 = tpu.memref_slice %arg6[%dma_wait3A_263, %dma_wait3A_264, %dma_wait3A_265] : memref<20x128x32xf32, #tpu.memory_space<vmem>> -> memref<1x128x32xf32, #tpu.memory_space<vmem>>
      %dma_wait3A_267 = tpu.memref_squeeze %dma_wait3A_266 : memref<1x128x32xf32, #tpu.memory_space<vmem>> -> memref<128x32xf32, #tpu.memory_space<vmem>>
      %dma_wait3A_268 = arith.constant 0 : i32
      %dma_wait3A_269 = tpu.memref_slice %arg5[%dma_wait3A_262, %dma_wait3A_268] : memref<20x128xi32, #tpu.memory_space<vmem>> -> memref<1x128xi32, #tpu.memory_space<vmem>>
      %dma_wait3A_270 = tpu.memref_squeeze %dma_wait3A_269 : memref<1x128xi32, #tpu.memory_space<vmem>> -> memref<128xi32, #tpu.memory_space<vmem>>
      %dma_wait3A_271 = arith.constant 0 : i32
      %dma_wait3A_272 = arith.constant 0 : i32
      %dma_wait3A_273 = tpu.memref_slice %arg3[%dma_wait3A_271, %dma_wait3A_272] : memref<100002x32xf32, #tpu.memory_space<hbm>> -> memref<100002x32xf32, #tpu.memory_space<hbm>>
      tpu.wait_indirect_dma semaphore(%arg7 : memref<!tpu.dma_semaphore, #tpu.memory_space<semaphore_mem>>) src(%dma_wait3A_273 : memref<100002x32xf32, #tpu.memory_space<hbm>>) dst(%dma_wait3A_267 : memref<128x32xf32, #tpu.memory_space<vmem>>)
      %dma_wait3A_274 = arith.constant 2 : i32
      %dma_wait3A_275 = arith.constant 2 : i32
      %dma_wait3A_276 = arith.constant 0 : i32
      %dma_wait3A_277 = arith.constant 0 : i32
      %dma_wait3A_278 = tpu.memref_slice %arg6[%dma_wait3A_275, %dma_wait3A_276, %dma_wait3A_277] : memref<20x128x32xf32, #tpu.memory_space<vmem>> -> memref<1x128x32xf32, #tpu.memory_space<vmem>>
      %dma_wait3A_279 = tpu.memref_squeeze %dma_wait3A_278 : memref<1x128x32xf32, #tpu.memory_space<vmem>> -> memref<128x32xf32, #tpu.memory_space<vmem>>
      %dma_wait3A_280 = arith.constant 0 : i32
      %dma_wait3A_281 = tpu.memref_slice %arg5[%dma_wait3A_274, %dma_wait3A_280] : memref<20x128xi32, #tpu.memory_space<vmem>> -> memref<1x128xi32, #tpu.memory_space<vmem>>
      %dma_wait3A_282 = tpu.memref_squeeze %dma_wait3A_281 : memref<1x128xi32, #tpu.memory_space<vmem>> -> memref<128xi32, #tpu.memory_space<vmem>>
      %dma_wait3A_283 = arith.constant 0 : i32
      %dma_wait3A_284 = arith.constant 0 : i32
      %dma_wait3A_285 = tpu.memref_slice %arg3[%dma_wait3A_283, %dma_wait3A_284] : memref<100002x32xf32, #tpu.memory_space<hbm>> -> memref<100002x32xf32, #tpu.memory_space<hbm>>
      tpu.wait_indirect_dma semaphore(%arg7 : memref<!tpu.dma_semaphore, #tpu.memory_space<semaphore_mem>>) src(%dma_wait3A_285 : memref<100002x32xf32, #tpu.memory_space<hbm>>) dst(%dma_wait3A_279 : memref<128x32xf32, #tpu.memory_space<vmem>>)
      %dma_wait3A_286 = arith.constant 3 : i32
      %dma_wait3A_287 = arith.constant 3 : i32
      %dma_wait3A_288 = arith.constant 0 : i32
      %dma_wait3A_289 = arith.constant 0 : i32
      %dma_wait3A_290 = tpu.memref_slice %arg6[%dma_wait3A_287, %dma_wait3A_288, %dma_wait3A_289] : memref<20x128x32xf32, #tpu.memory_space<vmem>> -> memref<1x128x32xf32, #tpu.memory_space<vmem>>
      %dma_wait3A_291 = tpu.memref_squeeze %dma_wait3A_290 : memref<1x128x32xf32, #tpu.memory_space<vmem>> -> memref<128x32xf32, #tpu.memory_space<vmem>>
      %dma_wait3A_292 = arith.constant 0 : i32
      %dma_wait3A_293 = tpu.memref_slice %arg5[%dma_wait3A_286, %dma_wait3A_292] : memref<20x128xi32, #tpu.memory_space<vmem>> -> memref<1x128xi32, #tpu.memory_space<vmem>>
      %dma_wait3A_294 = tpu.memref_squeeze %dma_wait3A_293 : memref<1x128xi32, #tpu.memory_space<vmem>> -> memref<128xi32, #tpu.memory_space<vmem>>
      %dma_wait3A_295 = arith.constant 0 : i32
      %dma_wait3A_296 = arith.constant 0 : i32
      %dma_wait3A_297 = tpu.memref_slice %arg3[%dma_wait3A_295, %dma_wait3A_296] : memref<100002x32xf32, #tpu.memory_space<hbm>> -> memref<100002x32xf32, #tpu.memory_space<hbm>>
      tpu.wait_indirect_dma semaphore(%arg7 : memref<!tpu.dma_semaphore, #tpu.memory_space<semaphore_mem>>) src(%dma_wait3A_297 : memref<100002x32xf32, #tpu.memory_space<hbm>>) dst(%dma_wait3A_291 : memref<128x32xf32, #tpu.memory_space<vmem>>)
      %dma_wait3A_298 = arith.constant 4 : i32
      %dma_wait3A_299 = arith.constant 4 : i32
      %dma_wait3A_300 = arith.constant 0 : i32
      %dma_wait3A_301 = arith.constant 0 : i32
      %dma_wait3A_302 = tpu.memref_slice %arg6[%dma_wait3A_299, %dma_wait3A_300, %dma_wait3A_301] : memref<20x128x32xf32, #tpu.memory_space<vmem>> -> memref<1x128x32xf32, #tpu.memory_space<vmem>>
      %dma_wait3A_303 = tpu.memref_squeeze %dma_wait3A_302 : memref<1x128x32xf32, #tpu.memory_space<vmem>> -> memref<128x32xf32, #tpu.memory_space<vmem>>
      %dma_wait3A_304 = arith.constant 0 : i32
      %dma_wait3A_305 = tpu.memref_slice %arg5[%dma_wait3A_298, %dma_wait3A_304] : memref<20x128xi32, #tpu.memory_space<vmem>> -> memref<1x128xi32, #tpu.memory_space<vmem>>
      %dma_wait3A_306 = tpu.memref_squeeze %dma_wait3A_305 : memref<1x128xi32, #tpu.memory_space<vmem>> -> memref<128xi32, #tpu.memory_space<vmem>>
      %dma_wait3A_307 = arith.constant 0 : i32
      %dma_wait3A_308 = arith.constant 0 : i32
      %dma_wait3A_309 = tpu.memref_slice %arg3[%dma_wait3A_307, %dma_wait3A_308] : memref<100002x32xf32, #tpu.memory_space<hbm>> -> memref<100002x32xf32, #tpu.memory_space<hbm>>
      tpu.wait_indirect_dma semaphore(%arg7 : memref<!tpu.dma_semaphore, #tpu.memory_space<semaphore_mem>>) src(%dma_wait3A_309 : memref<100002x32xf32, #tpu.memory_space<hbm>>) dst(%dma_wait3A_303 : memref<128x32xf32, #tpu.memory_space<vmem>>)
      %dma_wait3A_310 = arith.constant 5 : i32
      %dma_wait3A_311 = arith.constant 5 : i32
      %dma_wait3A_312 = arith.constant 0 : i32
      %dma_wait3A_313 = arith.constant 0 : i32
      %dma_wait3A_314 = tpu.memref_slice %arg6[%dma_wait3A_311, %dma_wait3A_312, %dma_wait3A_313] : memref<20x128x32xf32, #tpu.memory_space<vmem>> -> memref<1x128x32xf32, #tpu.memory_space<vmem>>
      %dma_wait3A_315 = tpu.memref_squeeze %dma_wait3A_314 : memref<1x128x32xf32, #tpu.memory_space<vmem>> -> memref<128x32xf32, #tpu.memory_space<vmem>>
      %dma_wait3A_316 = arith.constant 0 : i32
      %dma_wait3A_317 = tpu.memref_slice %arg5[%dma_wait3A_310, %dma_wait3A_316] : memref<20x128xi32, #tpu.memory_space<vmem>> -> memref<1x128xi32, #tpu.memory_space<vmem>>
      %dma_wait3A_318 = tpu.memref_squeeze %dma_wait3A_317 : memref<1x128xi32, #tpu.memory_space<vmem>> -> memref<128xi32, #tpu.memory_space<vmem>>
      %dma_wait3A_319 = arith.constant 0 : i32
      %dma_wait3A_320 = arith.constant 0 : i32
      %dma_wait3A_321 = tpu.memref_slice %arg3[%dma_wait3A_319, %dma_wait3A_320] : memref<100002x32xf32, #tpu.memory_space<hbm>> -> memref<100002x32xf32, #tpu.memory_space<hbm>>
      tpu.wait_indirect_dma semaphore(%arg7 : memref<!tpu.dma_semaphore, #tpu.memory_space<semaphore_mem>>) src(%dma_wait3A_321 : memref<100002x32xf32, #tpu.memory_space<hbm>>) dst(%dma_wait3A_315 : memref<128x32xf32, #tpu.memory_space<vmem>>)
      %dma_wait3A_322 = arith.constant 6 : i32
      %dma_wait3A_323 = arith.constant 6 : i32
      %dma_wait3A_324 = arith.constant 0 : i32
      %dma_wait3A_325 = arith.constant 0 : i32
      %dma_wait3A_326 = tpu.memref_slice %arg6[%dma_wait3A_323, %dma_wait3A_324, %dma_wait3A_325] : memref<20x128x32xf32, #tpu.memory_space<vmem>> -> memref<1x128x32xf32, #tpu.memory_space<vmem>>
      %dma_wait3A_327 = tpu.memref_squeeze %dma_wait3A_326 : memref<1x128x32xf32, #tpu.memory_space<vmem>> -> memref<128x32xf32, #tpu.memory_space<vmem>>
      %dma_wait3A_328 = arith.constant 0 : i32
      %dma_wait3A_329 = tpu.memref_slice %arg5[%dma_wait3A_322, %dma_wait3A_328] : memref<20x128xi32, #tpu.memory_space<vmem>> -> memref<1x128xi32, #tpu.memory_space<vmem>>
      %dma_wait3A_330 = tpu.memref_squeeze %dma_wait3A_329 : memref<1x128xi32, #tpu.memory_space<vmem>> -> memref<128xi32, #tpu.memory_space<vmem>>
      %dma_wait3A_331 = arith.constant 0 : i32
      %dma_wait3A_332 = arith.constant 0 : i32
      %dma_wait3A_333 = tpu.memref_slice %arg3[%dma_wait3A_331, %dma_wait3A_332] : memref<100002x32xf32, #tpu.memory_space<hbm>> -> memref<100002x32xf32, #tpu.memory_space<hbm>>
      tpu.wait_indirect_dma semaphore(%arg7 : memref<!tpu.dma_semaphore, #tpu.memory_space<semaphore_mem>>) src(%dma_wait3A_333 : memref<100002x32xf32, #tpu.memory_space<hbm>>) dst(%dma_wait3A_327 : memref<128x32xf32, #tpu.memory_space<vmem>>)
      %dma_wait3A_334 = arith.constant 7 : i32
      %dma_wait3A_335 = arith.constant 7 : i32
      %dma_wait3A_336 = arith.constant 0 : i32
      %dma_wait3A_337 = arith.constant 0 : i32
      %dma_wait3A_338 = tpu.memref_slice %arg6[%dma_wait3A_335, %dma_wait3A_336, %dma_wait3A_337] : memref<20x128x32xf32, #tpu.memory_space<vmem>> -> memref<1x128x32xf32, #tpu.memory_space<vmem>>
      %dma_wait3A_339 = tpu.memref_squeeze %dma_wait3A_338 : memref<1x128x32xf32, #tpu.memory_space<vmem>> -> memref<128x32xf32, #tpu.memory_space<vmem>>
      %dma_wait3A_340 = arith.constant 0 : i32
      %dma_wait3A_341 = tpu.memref_slice %arg5[%dma_wait3A_334, %dma_wait3A_340] : memref<20x128xi32, #tpu.memory_space<vmem>> -> memref<1x128xi32, #tpu.memory_space<vmem>>
      %dma_wait3A_342 = tpu.memref_squeeze %dma_wait3A_341 : memref<1x128xi32, #tpu.memory_space<vmem>> -> memref<128xi32, #tpu.memory_space<vmem>>
      %dma_wait3A_343 = arith.constant 0 : i32
      %dma_wait3A_344 = arith.constant 0 : i32
      %dma_wait3A_345 = tpu.memref_slice %arg3[%dma_wait3A_343, %dma_wait3A_344] : memref<100002x32xf32, #tpu.memory_space<hbm>> -> memref<100002x32xf32, #tpu.memory_space<hbm>>
      tpu.wait_indirect_dma semaphore(%arg7 : memref<!tpu.dma_semaphore, #tpu.memory_space<semaphore_mem>>) src(%dma_wait3A_345 : memref<100002x32xf32, #tpu.memory_space<hbm>>) dst(%dma_wait3A_339 : memref<128x32xf32, #tpu.memory_space<vmem>>)
      %dma_wait3A_346 = arith.constant 8 : i32
      %dma_wait3A_347 = arith.constant 8 : i32
      %dma_wait3A_348 = arith.constant 0 : i32
      %dma_wait3A_349 = arith.constant 0 : i32
      %dma_wait3A_350 = tpu.memref_slice %arg6[%dma_wait3A_347, %dma_wait3A_348, %dma_wait3A_349] : memref<20x128x32xf32, #tpu.memory_space<vmem>> -> memref<1x128x32xf32, #tpu.memory_space<vmem>>
      %dma_wait3A_351 = tpu.memref_squeeze %dma_wait3A_350 : memref<1x128x32xf32, #tpu.memory_space<vmem>> -> memref<128x32xf32, #tpu.memory_space<vmem>>
      %dma_wait3A_352 = arith.constant 0 : i32
      %dma_wait3A_353 = tpu.memref_slice %arg5[%dma_wait3A_346, %dma_wait3A_352] : memref<20x128xi32, #tpu.memory_space<vmem>> -> memref<1x128xi32, #tpu.memory_space<vmem>>
      %dma_wait3A_354 = tpu.memref_squeeze %dma_wait3A_353 : memref<1x128xi32, #tpu.memory_space<vmem>> -> memref<128xi32, #tpu.memory_space<vmem>>
      %dma_wait3A_355 = arith.constant 0 : i32
      %dma_wait3A_356 = arith.constant 0 : i32
      %dma_wait3A_357 = tpu.memref_slice %arg3[%dma_wait3A_355, %dma_wait3A_356] : memref<100002x32xf32, #tpu.memory_space<hbm>> -> memref<100002x32xf32, #tpu.memory_space<hbm>>
      tpu.wait_indirect_dma semaphore(%arg7 : memref<!tpu.dma_semaphore, #tpu.memory_space<semaphore_mem>>) src(%dma_wait3A_357 : memref<100002x32xf32, #tpu.memory_space<hbm>>) dst(%dma_wait3A_351 : memref<128x32xf32, #tpu.memory_space<vmem>>)
      %dma_wait3A_358 = arith.constant 9 : i32
      %dma_wait3A_359 = arith.constant 9 : i32
      %dma_wait3A_360 = arith.constant 0 : i32
      %dma_wait3A_361 = arith.constant 0 : i32
      %dma_wait3A_362 = tpu.memref_slice %arg6[%dma_wait3A_359, %dma_wait3A_360, %dma_wait3A_361] : memref<20x128x32xf32, #tpu.memory_space<vmem>> -> memref<1x128x32xf32, #tpu.memory_space<vmem>>
      %dma_wait3A_363 = tpu.memref_squeeze %dma_wait3A_362 : memref<1x128x32xf32, #tpu.memory_space<vmem>> -> memref<128x32xf32, #tpu.memory_space<vmem>>
      %dma_wait3A_364 = arith.constant 0 : i32
      %dma_wait3A_365 = tpu.memref_slice %arg5[%dma_wait3A_358, %dma_wait3A_364] : memref<20x128xi32, #tpu.memory_space<vmem>> -> memref<1x128xi32, #tpu.memory_space<vmem>>
      %dma_wait3A_366 = tpu.memref_squeeze %dma_wait3A_365 : memref<1x128xi32, #tpu.memory_space<vmem>> -> memref<128xi32, #tpu.memory_space<vmem>>
      %dma_wait3A_367 = arith.constant 0 : i32
      %dma_wait3A_368 = arith.constant 0 : i32
      %dma_wait3A_369 = tpu.memref_slice %arg3[%dma_wait3A_367, %dma_wait3A_368] : memref<100002x32xf32, #tpu.memory_space<hbm>> -> memref<100002x32xf32, #tpu.memory_space<hbm>>
      tpu.wait_indirect_dma semaphore(%arg7 : memref<!tpu.dma_semaphore, #tpu.memory_space<semaphore_mem>>) src(%dma_wait3A_369 : memref<100002x32xf32, #tpu.memory_space<hbm>>) dst(%dma_wait3A_363 : memref<128x32xf32, #tpu.memory_space<vmem>>)
      %dma_wait3A_370 = arith.constant 10 : i32
      %dma_wait3A_371 = arith.constant 10 : i32
      %dma_wait3A_372 = arith.constant 0 : i32
      %dma_wait3A_373 = arith.constant 0 : i32
      %dma_wait3A_374 = tpu.memref_slice %arg6[%dma_wait3A_371, %dma_wait3A_372, %dma_wait3A_373] : memref<20x128x32xf32, #tpu.memory_space<vmem>> -> memref<1x128x32xf32, #tpu.memory_space<vmem>>
      %dma_wait3A_375 = tpu.memref_squeeze %dma_wait3A_374 : memref<1x128x32xf32, #tpu.memory_space<vmem>> -> memref<128x32xf32, #tpu.memory_space<vmem>>
      %dma_wait3A_376 = arith.constant 0 : i32
      %dma_wait3A_377 = tpu.memref_slice %arg5[%dma_wait3A_370, %dma_wait3A_376] : memref<20x128xi32, #tpu.memory_space<vmem>> -> memref<1x128xi32, #tpu.memory_space<vmem>>
      %dma_wait3A_378 = tpu.memref_squeeze %dma_wait3A_377 : memref<1x128xi32, #tpu.memory_space<vmem>> -> memref<128xi32, #tpu.memory_space<vmem>>
      %dma_wait3A_379 = arith.constant 0 : i32
      %dma_wait3A_380 = arith.constant 0 : i32
      %dma_wait3A_381 = tpu.memref_slice %arg3[%dma_wait3A_379, %dma_wait3A_380] : memref<100002x32xf32, #tpu.memory_space<hbm>> -> memref<100002x32xf32, #tpu.memory_space<hbm>>
      tpu.wait_indirect_dma semaphore(%arg7 : memref<!tpu.dma_semaphore, #tpu.memory_space<semaphore_mem>>) src(%dma_wait3A_381 : memref<100002x32xf32, #tpu.memory_space<hbm>>) dst(%dma_wait3A_375 : memref<128x32xf32, #tpu.memory_space<vmem>>)
      %dma_wait3A_382 = arith.constant 11 : i32
      %dma_wait3A_383 = arith.constant 11 : i32
      %dma_wait3A_384 = arith.constant 0 : i32
      %dma_wait3A_385 = arith.constant 0 : i32
      %dma_wait3A_386 = tpu.memref_slice %arg6[%dma_wait3A_383, %dma_wait3A_384, %dma_wait3A_385] : memref<20x128x32xf32, #tpu.memory_space<vmem>> -> memref<1x128x32xf32, #tpu.memory_space<vmem>>
      %dma_wait3A_387 = tpu.memref_squeeze %dma_wait3A_386 : memref<1x128x32xf32, #tpu.memory_space<vmem>> -> memref<128x32xf32, #tpu.memory_space<vmem>>
      %dma_wait3A_388 = arith.constant 0 : i32
      %dma_wait3A_389 = tpu.memref_slice %arg5[%dma_wait3A_382, %dma_wait3A_388] : memref<20x128xi32, #tpu.memory_space<vmem>> -> memref<1x128xi32, #tpu.memory_space<vmem>>
      %dma_wait3A_390 = tpu.memref_squeeze %dma_wait3A_389 : memref<1x128xi32, #tpu.memory_space<vmem>> -> memref<128xi32, #tpu.memory_space<vmem>>
      %dma_wait3A_391 = arith.constant 0 : i32
      %dma_wait3A_392 = arith.constant 0 : i32
      %dma_wait3A_393 = tpu.memref_slice %arg3[%dma_wait3A_391, %dma_wait3A_392] : memref<100002x32xf32, #tpu.memory_space<hbm>> -> memref<100002x32xf32, #tpu.memory_space<hbm>>
      tpu.wait_indirect_dma semaphore(%arg7 : memref<!tpu.dma_semaphore, #tpu.memory_space<semaphore_mem>>) src(%dma_wait3A_393 : memref<100002x32xf32, #tpu.memory_space<hbm>>) dst(%dma_wait3A_387 : memref<128x32xf32, #tpu.memory_space<vmem>>)
      %dma_wait3A_394 = arith.constant 12 : i32
      %dma_wait3A_395 = arith.constant 12 : i32
      %dma_wait3A_396 = arith.constant 0 : i32
      %dma_wait3A_397 = arith.constant 0 : i32
      %dma_wait3A_398 = tpu.memref_slice %arg6[%dma_wait3A_395, %dma_wait3A_396, %dma_wait3A_397] : memref<20x128x32xf32, #tpu.memory_space<vmem>> -> memref<1x128x32xf32, #tpu.memory_space<vmem>>
      %dma_wait3A_399 = tpu.memref_squeeze %dma_wait3A_398 : memref<1x128x32xf32, #tpu.memory_space<vmem>> -> memref<128x32xf32, #tpu.memory_space<vmem>>
      %dma_wait3A_400 = arith.constant 0 : i32
      %dma_wait3A_401 = tpu.memref_slice %arg5[%dma_wait3A_394, %dma_wait3A_400] : memref<20x128xi32, #tpu.memory_space<vmem>> -> memref<1x128xi32, #tpu.memory_space<vmem>>
      %dma_wait3A_402 = tpu.memref_squeeze %dma_wait3A_401 : memref<1x128xi32, #tpu.memory_space<vmem>> -> memref<128xi32, #tpu.memory_space<vmem>>
      %dma_wait3A_403 = arith.constant 0 : i32
      %dma_wait3A_404 = arith.constant 0 : i32
      %dma_wait3A_405 = tpu.memref_slice %arg3[%dma_wait3A_403, %dma_wait3A_404] : memref<100002x32xf32, #tpu.memory_space<hbm>> -> memref<100002x32xf32, #tpu.memory_space<hbm>>
      tpu.wait_indirect_dma semaphore(%arg7 : memref<!tpu.dma_semaphore, #tpu.memory_space<semaphore_mem>>) src(%dma_wait3A_405 : memref<100002x32xf32, #tpu.memory_space<hbm>>) dst(%dma_wait3A_399 : memref<128x32xf32, #tpu.memory_space<vmem>>)
      %dma_wait3A_406 = arith.constant 13 : i32
      %dma_wait3A_407 = arith.constant 13 : i32
      %dma_wait3A_408 = arith.constant 0 : i32
      %dma_wait3A_409 = arith.constant 0 : i32
      %dma_wait3A_410 = tpu.memref_slice %arg6[%dma_wait3A_407, %dma_wait3A_408, %dma_wait3A_409] : memref<20x128x32xf32, #tpu.memory_space<vmem>> -> memref<1x128x32xf32, #tpu.memory_space<vmem>>
      %dma_wait3A_411 = tpu.memref_squeeze %dma_wait3A_410 : memref<1x128x32xf32, #tpu.memory_space<vmem>> -> memref<128x32xf32, #tpu.memory_space<vmem>>
      %dma_wait3A_412 = arith.constant 0 : i32
      %dma_wait3A_413 = tpu.memref_slice %arg5[%dma_wait3A_406, %dma_wait3A_412] : memref<20x128xi32, #tpu.memory_space<vmem>> -> memref<1x128xi32, #tpu.memory_space<vmem>>
      %dma_wait3A_414 = tpu.memref_squeeze %dma_wait3A_413 : memref<1x128xi32, #tpu.memory_space<vmem>> -> memref<128xi32, #tpu.memory_space<vmem>>
      %dma_wait3A_415 = arith.constant 0 : i32
      %dma_wait3A_416 = arith.constant 0 : i32
      %dma_wait3A_417 = tpu.memref_slice %arg3[%dma_wait3A_415, %dma_wait3A_416] : memref<100002x32xf32, #tpu.memory_space<hbm>> -> memref<100002x32xf32, #tpu.memory_space<hbm>>
      tpu.wait_indirect_dma semaphore(%arg7 : memref<!tpu.dma_semaphore, #tpu.memory_space<semaphore_mem>>) src(%dma_wait3A_417 : memref<100002x32xf32, #tpu.memory_space<hbm>>) dst(%dma_wait3A_411 : memref<128x32xf32, #tpu.memory_space<vmem>>)
      %dma_wait3A_418 = arith.constant 14 : i32
      %dma_wait3A_419 = arith.constant 14 : i32
      %dma_wait3A_420 = arith.constant 0 : i32
      %dma_wait3A_421 = arith.constant 0 : i32
      %dma_wait3A_422 = tpu.memref_slice %arg6[%dma_wait3A_419, %dma_wait3A_420, %dma_wait3A_421] : memref<20x128x32xf32, #tpu.memory_space<vmem>> -> memref<1x128x32xf32, #tpu.memory_space<vmem>>
      %dma_wait3A_423 = tpu.memref_squeeze %dma_wait3A_422 : memref<1x128x32xf32, #tpu.memory_space<vmem>> -> memref<128x32xf32, #tpu.memory_space<vmem>>
      %dma_wait3A_424 = arith.constant 0 : i32
      %dma_wait3A_425 = tpu.memref_slice %arg5[%dma_wait3A_418, %dma_wait3A_424] : memref<20x128xi32, #tpu.memory_space<vmem>> -> memref<1x128xi32, #tpu.memory_space<vmem>>
      %dma_wait3A_426 = tpu.memref_squeeze %dma_wait3A_425 : memref<1x128xi32, #tpu.memory_space<vmem>> -> memref<128xi32, #tpu.memory_space<vmem>>
      %dma_wait3A_427 = arith.constant 0 : i32
      %dma_wait3A_428 = arith.constant 0 : i32
      %dma_wait3A_429 = tpu.memref_slice %arg3[%dma_wait3A_427, %dma_wait3A_428] : memref<100002x32xf32, #tpu.memory_space<hbm>> -> memref<100002x32xf32, #tpu.memory_space<hbm>>
      tpu.wait_indirect_dma semaphore(%arg7 : memref<!tpu.dma_semaphore, #tpu.memory_space<semaphore_mem>>) src(%dma_wait3A_429 : memref<100002x32xf32, #tpu.memory_space<hbm>>) dst(%dma_wait3A_423 : memref<128x32xf32, #tpu.memory_space<vmem>>)
      %dma_wait3A_430 = arith.constant 15 : i32
      %dma_wait3A_431 = arith.constant 15 : i32
      %dma_wait3A_432 = arith.constant 0 : i32
      %dma_wait3A_433 = arith.constant 0 : i32
      %dma_wait3A_434 = tpu.memref_slice %arg6[%dma_wait3A_431, %dma_wait3A_432, %dma_wait3A_433] : memref<20x128x32xf32, #tpu.memory_space<vmem>> -> memref<1x128x32xf32, #tpu.memory_space<vmem>>
      %dma_wait3A_435 = tpu.memref_squeeze %dma_wait3A_434 : memref<1x128x32xf32, #tpu.memory_space<vmem>> -> memref<128x32xf32, #tpu.memory_space<vmem>>
      %dma_wait3A_436 = arith.constant 0 : i32
      %dma_wait3A_437 = tpu.memref_slice %arg5[%dma_wait3A_430, %dma_wait3A_436] : memref<20x128xi32, #tpu.memory_space<vmem>> -> memref<1x128xi32, #tpu.memory_space<vmem>>
      %dma_wait3A_438 = tpu.memref_squeeze %dma_wait3A_437 : memref<1x128xi32, #tpu.memory_space<vmem>> -> memref<128xi32, #tpu.memory_space<vmem>>
      %dma_wait3A_439 = arith.constant 0 : i32
      %dma_wait3A_440 = arith.constant 0 : i32
      %dma_wait3A_441 = tpu.memref_slice %arg3[%dma_wait3A_439, %dma_wait3A_440] : memref<100002x32xf32, #tpu.memory_space<hbm>> -> memref<100002x32xf32, #tpu.memory_space<hbm>>
      tpu.wait_indirect_dma semaphore(%arg7 : memref<!tpu.dma_semaphore, #tpu.memory_space<semaphore_mem>>) src(%dma_wait3A_441 : memref<100002x32xf32, #tpu.memory_space<hbm>>) dst(%dma_wait3A_435 : memref<128x32xf32, #tpu.memory_space<vmem>>)
      %dma_wait3A_442 = arith.constant 16 : i32
      %dma_wait3A_443 = arith.constant 16 : i32
      %dma_wait3A_444 = arith.constant 0 : i32
      %dma_wait3A_445 = arith.constant 0 : i32
      %dma_wait3A_446 = tpu.memref_slice %arg6[%dma_wait3A_443, %dma_wait3A_444, %dma_wait3A_445] : memref<20x128x32xf32, #tpu.memory_space<vmem>> -> memref<1x128x32xf32, #tpu.memory_space<vmem>>
      %dma_wait3A_447 = tpu.memref_squeeze %dma_wait3A_446 : memref<1x128x32xf32, #tpu.memory_space<vmem>> -> memref<128x32xf32, #tpu.memory_space<vmem>>
      %dma_wait3A_448 = arith.constant 0 : i32
      %dma_wait3A_449 = tpu.memref_slice %arg5[%dma_wait3A_442, %dma_wait3A_448] : memref<20x128xi32, #tpu.memory_space<vmem>> -> memref<1x128xi32, #tpu.memory_space<vmem>>
      %dma_wait3A_450 = tpu.memref_squeeze %dma_wait3A_449 : memref<1x128xi32, #tpu.memory_space<vmem>> -> memref<128xi32, #tpu.memory_space<vmem>>
      %dma_wait3A_451 = arith.constant 0 : i32
      %dma_wait3A_452 = arith.constant 0 : i32
      %dma_wait3A_453 = tpu.memref_slice %arg3[%dma_wait3A_451, %dma_wait3A_452] : memref<100002x32xf32, #tpu.memory_space<hbm>> -> memref<100002x32xf32, #tpu.memory_space<hbm>>
      tpu.wait_indirect_dma semaphore(%arg7 : memref<!tpu.dma_semaphore, #tpu.memory_space<semaphore_mem>>) src(%dma_wait3A_453 : memref<100002x32xf32, #tpu.memory_space<hbm>>) dst(%dma_wait3A_447 : memref<128x32xf32, #tpu.memory_space<vmem>>)
      %dma_wait3A_454 = arith.constant 17 : i32
      %dma_wait3A_455 = arith.constant 17 : i32
      %dma_wait3A_456 = arith.constant 0 : i32
      %dma_wait3A_457 = arith.constant 0 : i32
      %dma_wait3A_458 = tpu.memref_slice %arg6[%dma_wait3A_455, %dma_wait3A_456, %dma_wait3A_457] : memref<20x128x32xf32, #tpu.memory_space<vmem>> -> memref<1x128x32xf32, #tpu.memory_space<vmem>>
      %dma_wait3A_459 = tpu.memref_squeeze %dma_wait3A_458 : memref<1x128x32xf32, #tpu.memory_space<vmem>> -> memref<128x32xf32, #tpu.memory_space<vmem>>
      %dma_wait3A_460 = arith.constant 0 : i32
      %dma_wait3A_461 = tpu.memref_slice %arg5[%dma_wait3A_454, %dma_wait3A_460] : memref<20x128xi32, #tpu.memory_space<vmem>> -> memref<1x128xi32, #tpu.memory_space<vmem>>
      %dma_wait3A_462 = tpu.memref_squeeze %dma_wait3A_461 : memref<1x128xi32, #tpu.memory_space<vmem>> -> memref<128xi32, #tpu.memory_space<vmem>>
      %dma_wait3A_463 = arith.constant 0 : i32
      %dma_wait3A_464 = arith.constant 0 : i32
      %dma_wait3A_465 = tpu.memref_slice %arg3[%dma_wait3A_463, %dma_wait3A_464] : memref<100002x32xf32, #tpu.memory_space<hbm>> -> memref<100002x32xf32, #tpu.memory_space<hbm>>
      tpu.wait_indirect_dma semaphore(%arg7 : memref<!tpu.dma_semaphore, #tpu.memory_space<semaphore_mem>>) src(%dma_wait3A_465 : memref<100002x32xf32, #tpu.memory_space<hbm>>) dst(%dma_wait3A_459 : memref<128x32xf32, #tpu.memory_space<vmem>>)
      %dma_wait3A_466 = arith.constant 18 : i32
      %dma_wait3A_467 = arith.constant 18 : i32
      %dma_wait3A_468 = arith.constant 0 : i32
      %dma_wait3A_469 = arith.constant 0 : i32
      %dma_wait3A_470 = tpu.memref_slice %arg6[%dma_wait3A_467, %dma_wait3A_468, %dma_wait3A_469] : memref<20x128x32xf32, #tpu.memory_space<vmem>> -> memref<1x128x32xf32, #tpu.memory_space<vmem>>
      %dma_wait3A_471 = tpu.memref_squeeze %dma_wait3A_470 : memref<1x128x32xf32, #tpu.memory_space<vmem>> -> memref<128x32xf32, #tpu.memory_space<vmem>>
      %dma_wait3A_472 = arith.constant 0 : i32
      %dma_wait3A_473 = tpu.memref_slice %arg5[%dma_wait3A_466, %dma_wait3A_472] : memref<20x128xi32, #tpu.memory_space<vmem>> -> memref<1x128xi32, #tpu.memory_space<vmem>>
      %dma_wait3A_474 = tpu.memref_squeeze %dma_wait3A_473 : memref<1x128xi32, #tpu.memory_space<vmem>> -> memref<128xi32, #tpu.memory_space<vmem>>
      %dma_wait3A_475 = arith.constant 0 : i32
      %dma_wait3A_476 = arith.constant 0 : i32
      %dma_wait3A_477 = tpu.memref_slice %arg3[%dma_wait3A_475, %dma_wait3A_476] : memref<100002x32xf32, #tpu.memory_space<hbm>> -> memref<100002x32xf32, #tpu.memory_space<hbm>>
      tpu.wait_indirect_dma semaphore(%arg7 : memref<!tpu.dma_semaphore, #tpu.memory_space<semaphore_mem>>) src(%dma_wait3A_477 : memref<100002x32xf32, #tpu.memory_space<hbm>>) dst(%dma_wait3A_471 : memref<128x32xf32, #tpu.memory_space<vmem>>)
      %dma_wait3A_478 = arith.constant 19 : i32
      %dma_wait3A_479 = arith.constant 19 : i32
      %dma_wait3A_480 = arith.constant 0 : i32
      %dma_wait3A_481 = arith.constant 0 : i32
      %dma_wait3A_482 = tpu.memref_slice %arg6[%dma_wait3A_479, %dma_wait3A_480, %dma_wait3A_481] : memref<20x128x32xf32, #tpu.memory_space<vmem>> -> memref<1x128x32xf32, #tpu.memory_space<vmem>>
      %dma_wait3A_483 = tpu.memref_squeeze %dma_wait3A_482 : memref<1x128x32xf32, #tpu.memory_space<vmem>> -> memref<128x32xf32, #tpu.memory_space<vmem>>
      %dma_wait3A_484 = arith.constant 0 : i32
      %dma_wait3A_485 = tpu.memref_slice %arg5[%dma_wait3A_478, %dma_wait3A_484] : memref<20x128xi32, #tpu.memory_space<vmem>> -> memref<1x128xi32, #tpu.memory_space<vmem>>
      %dma_wait3A_486 = tpu.memref_squeeze %dma_wait3A_485 : memref<1x128xi32, #tpu.memory_space<vmem>> -> memref<128xi32, #tpu.memory_space<vmem>>
      %dma_wait3A_487 = arith.constant 0 : i32
      %dma_wait3A_488 = arith.constant 0 : i32
      %dma_wait3A_489 = tpu.memref_slice %arg3[%dma_wait3A_487, %dma_wait3A_488] : memref<100002x32xf32, #tpu.memory_space<hbm>> -> memref<100002x32xf32, #tpu.memory_space<hbm>>
      tpu.wait_indirect_dma semaphore(%arg7 : memref<!tpu.dma_semaphore, #tpu.memory_space<semaphore_mem>>) src(%dma_wait3A_489 : memref<100002x32xf32, #tpu.memory_space<hbm>>) dst(%dma_wait3A_483 : memref<128x32xf32, #tpu.memory_space<vmem>>)
      "tpu.region"() ({
        %run_scoped3A = tpu.sem_alloc : memref<!tpu.dma_semaphore, #tpu.memory_space<semaphore_mem>>
        %dma_start3A_490 = arith.constant 0 : i32
        %dma_start3A_491 = arith.constant 0 : i32
        %dma_start3A_492 = tpu.memref_slice %arg4[%dma_start3A_490, %add3A_11, %dma_start3A_491] : memref<20x16384x32xf32, #tpu.memory_space<hbm>> -> memref<20x128x32xf32, #tpu.memory_space<hbm>>
        %dma_start3A_493 = arith.constant 0 : i32
        %dma_start3A_494 = arith.constant 0 : i32
        %dma_start3A_495 = tpu.memref_slice %arg4[%dma_start3A_493, %add3A_11, %dma_start3A_494] : memref<20x16384x32xf32, #tpu.memory_space<hbm>> -> memref<20x128x32xf32, #tpu.memory_space<hbm>>
        tpu.enqueue_dma source(%arg6 : memref<20x128x32xf32, #tpu.memory_space<vmem>>) target(%dma_start3A_495 : memref<20x128x32xf32, #tpu.memory_space<hbm>>) target_semaphore(%run_scoped3A : memref<!tpu.dma_semaphore, #tpu.memory_space<semaphore_mem>>)
        %dma_wait3A_496 = arith.constant 0 : i32
        %dma_wait3A_497 = arith.constant 0 : i32
        %dma_wait3A_498 = tpu.memref_slice %arg4[%dma_wait3A_496, %add3A_11, %dma_wait3A_497] : memref<20x16384x32xf32, #tpu.memory_space<hbm>> -> memref<20x128x32xf32, #tpu.memory_space<hbm>>
        %dma_wait3A_499 = arith.constant 0 : i32
        %dma_wait3A_500 = arith.constant 0 : i32
        %dma_wait3A_501 = tpu.memref_slice %arg4[%dma_wait3A_499, %add3A_11, %dma_wait3A_500] : memref<20x16384x32xf32, #tpu.memory_space<hbm>> -> memref<20x128x32xf32, #tpu.memory_space<hbm>>
        tpu.wait_dma2 semaphore(%run_scoped3A : memref<!tpu.dma_semaphore, #tpu.memory_space<semaphore_mem>>) src(%arg6 : memref<20x128x32xf32, #tpu.memory_space<vmem>>) dst(%dma_wait3A_501 : memref<20x128x32xf32, #tpu.memory_space<hbm>>)
        tpu.yield
      }) : () -> ()
    }
    %scan3A_7 = arith.constant 4 : i32
    return
  }
}

module attributes {stable_mosaic.version = 14 : i64} {
  func.func @_mm_body(%arg0: i32, %arg1: memref<20x512x128xf32, #tpu.memory_space<vmem>>, %arg2: memref<20x128x128xf32, #tpu.memory_space<vmem>>, %arg3: memref<1x128xf32, #tpu.memory_space<vmem>>, %arg4: memref<512x128xf32, #tpu.memory_space<vmem>>) attributes {dimension_semantics = [#tpu.dimension_semantics<arbitrary>], iteration_bounds = array<i64: 8>, scalar_prefetch = 0 : i64, scratch_operands = 0 : i64, tpu.core_type = #tpu.core_type<tc>, window_params = [{transform_indices = @transform_0, window_bounds = array<i64: 20, 512, 128>}, {pipeline_mode = #tpu.pipeline_mode<synchronous>, transform_indices = @transform_1, window_bounds = array<i64: 20, 128, 128>}, {pipeline_mode = #tpu.pipeline_mode<synchronous>, transform_indices = @transform_2, window_bounds = array<i64: 1, 128>}, {transform_indices = @transform_3, window_bounds = array<i64: 512, 128>}]} {
    %get3A = arith.constant 0 : index
    %get3A_0 = arith.constant 0 : index
    %get3A_1 = vector.load %arg3[%get3A, %get3A_0] : memref<1x128xf32, #tpu.memory_space<vmem>>, vector<1x128xf32>
    %get3A_2 = arith.constant 0 : index
    %get3A_3 = arith.constant 0 : index
    %get3A_4 = arith.constant 0 : index
    %get3A_5 = vector.load %arg1[%get3A_2, %get3A_3, %get3A_4] : memref<20x512x128xf32, #tpu.memory_space<vmem>>, vector<1x512x128xf32>
    %get3A_6 = vector.shape_cast %get3A_5 : vector<1x512x128xf32> to vector<512x128xf32>
    %get3A_7 = arith.constant 0 : index
    %get3A_8 = arith.constant 0 : index
    %get3A_9 = arith.constant 0 : index
    %get3A_10 = vector.load %arg2[%get3A_7, %get3A_8, %get3A_9] : memref<20x128x128xf32, #tpu.memory_space<vmem>>, vector<1x128x128xf32>
    %get3A_11 = vector.shape_cast %get3A_10 : vector<1x128x128xf32> to vector<128x128xf32>
    %dot_general3A = arith.constant dense<0.000000e+00> : vector<512x128xf32>
    %dot_general3A_12 = tpu.matmul %get3A_6, %get3A_11, %dot_general3A {dimension_numbers = #tpu.dot_dimension_numbers<[1], [0], [0], [1], [0, 0, 1, 1], [], []>, transpose_lhs_hint = false} : vector<512x128xf32>, vector<128x128xf32>, vector<512x128xf32> -> vector<512x128xf32>
    %add3A = vector.broadcast %get3A_1 : vector<1x128xf32> to vector<512x128xf32>
    %add3A_13 = arith.addf %add3A, %dot_general3A_12 : vector<512x128xf32>
    %get3A_14 = arith.constant 1 : index
    %get3A_15 = arith.constant 0 : index
    %get3A_16 = arith.constant 0 : index
    %get3A_17 = vector.load %arg1[%get3A_14, %get3A_15, %get3A_16] : memref<20x512x128xf32, #tpu.memory_space<vmem>>, vector<1x512x128xf32>
    %get3A_18 = vector.shape_cast %get3A_17 : vector<1x512x128xf32> to vector<512x128xf32>
    %get3A_19 = arith.constant 1 : index
    %get3A_20 = arith.constant 0 : index
    %get3A_21 = arith.constant 0 : index
    %get3A_22 = vector.load %arg2[%get3A_19, %get3A_20, %get3A_21] : memref<20x128x128xf32, #tpu.memory_space<vmem>>, vector<1x128x128xf32>
    %get3A_23 = vector.shape_cast %get3A_22 : vector<1x128x128xf32> to vector<128x128xf32>
    %dot_general3A_24 = arith.constant dense<0.000000e+00> : vector<512x128xf32>
    %dot_general3A_25 = tpu.matmul %get3A_18, %get3A_23, %dot_general3A_24 {dimension_numbers = #tpu.dot_dimension_numbers<[1], [0], [0], [1], [0, 0, 1, 1], [], []>, transpose_lhs_hint = false} : vector<512x128xf32>, vector<128x128xf32>, vector<512x128xf32> -> vector<512x128xf32>
    %add3A_26 = arith.addf %add3A_13, %dot_general3A_25 : vector<512x128xf32>
    %get3A_27 = arith.constant 2 : index
    %get3A_28 = arith.constant 0 : index
    %get3A_29 = arith.constant 0 : index
    %get3A_30 = vector.load %arg1[%get3A_27, %get3A_28, %get3A_29] : memref<20x512x128xf32, #tpu.memory_space<vmem>>, vector<1x512x128xf32>
    %get3A_31 = vector.shape_cast %get3A_30 : vector<1x512x128xf32> to vector<512x128xf32>
    %get3A_32 = arith.constant 2 : index
    %get3A_33 = arith.constant 0 : index
    %get3A_34 = arith.constant 0 : index
    %get3A_35 = vector.load %arg2[%get3A_32, %get3A_33, %get3A_34] : memref<20x128x128xf32, #tpu.memory_space<vmem>>, vector<1x128x128xf32>
    %get3A_36 = vector.shape_cast %get3A_35 : vector<1x128x128xf32> to vector<128x128xf32>
    %dot_general3A_37 = arith.constant dense<0.000000e+00> : vector<512x128xf32>
    %dot_general3A_38 = tpu.matmul %get3A_31, %get3A_36, %dot_general3A_37 {dimension_numbers = #tpu.dot_dimension_numbers<[1], [0], [0], [1], [0, 0, 1, 1], [], []>, transpose_lhs_hint = false} : vector<512x128xf32>, vector<128x128xf32>, vector<512x128xf32> -> vector<512x128xf32>
    %add3A_39 = arith.addf %add3A_26, %dot_general3A_38 : vector<512x128xf32>
    %get3A_40 = arith.constant 3 : index
    %get3A_41 = arith.constant 0 : index
    %get3A_42 = arith.constant 0 : index
    %get3A_43 = vector.load %arg1[%get3A_40, %get3A_41, %get3A_42] : memref<20x512x128xf32, #tpu.memory_space<vmem>>, vector<1x512x128xf32>
    %get3A_44 = vector.shape_cast %get3A_43 : vector<1x512x128xf32> to vector<512x128xf32>
    %get3A_45 = arith.constant 3 : index
    %get3A_46 = arith.constant 0 : index
    %get3A_47 = arith.constant 0 : index
    %get3A_48 = vector.load %arg2[%get3A_45, %get3A_46, %get3A_47] : memref<20x128x128xf32, #tpu.memory_space<vmem>>, vector<1x128x128xf32>
    %get3A_49 = vector.shape_cast %get3A_48 : vector<1x128x128xf32> to vector<128x128xf32>
    %dot_general3A_50 = arith.constant dense<0.000000e+00> : vector<512x128xf32>
    %dot_general3A_51 = tpu.matmul %get3A_44, %get3A_49, %dot_general3A_50 {dimension_numbers = #tpu.dot_dimension_numbers<[1], [0], [0], [1], [0, 0, 1, 1], [], []>, transpose_lhs_hint = false} : vector<512x128xf32>, vector<128x128xf32>, vector<512x128xf32> -> vector<512x128xf32>
    %add3A_52 = arith.addf %add3A_39, %dot_general3A_51 : vector<512x128xf32>
    %get3A_53 = arith.constant 4 : index
    %get3A_54 = arith.constant 0 : index
    %get3A_55 = arith.constant 0 : index
    %get3A_56 = vector.load %arg1[%get3A_53, %get3A_54, %get3A_55] : memref<20x512x128xf32, #tpu.memory_space<vmem>>, vector<1x512x128xf32>
    %get3A_57 = vector.shape_cast %get3A_56 : vector<1x512x128xf32> to vector<512x128xf32>
    %get3A_58 = arith.constant 4 : index
    %get3A_59 = arith.constant 0 : index
    %get3A_60 = arith.constant 0 : index
    %get3A_61 = vector.load %arg2[%get3A_58, %get3A_59, %get3A_60] : memref<20x128x128xf32, #tpu.memory_space<vmem>>, vector<1x128x128xf32>
    %get3A_62 = vector.shape_cast %get3A_61 : vector<1x128x128xf32> to vector<128x128xf32>
    %dot_general3A_63 = arith.constant dense<0.000000e+00> : vector<512x128xf32>
    %dot_general3A_64 = tpu.matmul %get3A_57, %get3A_62, %dot_general3A_63 {dimension_numbers = #tpu.dot_dimension_numbers<[1], [0], [0], [1], [0, 0, 1, 1], [], []>, transpose_lhs_hint = false} : vector<512x128xf32>, vector<128x128xf32>, vector<512x128xf32> -> vector<512x128xf32>
    %add3A_65 = arith.addf %add3A_52, %dot_general3A_64 : vector<512x128xf32>
    %get3A_66 = arith.constant 5 : index
    %get3A_67 = arith.constant 0 : index
    %get3A_68 = arith.constant 0 : index
    %get3A_69 = vector.load %arg1[%get3A_66, %get3A_67, %get3A_68] : memref<20x512x128xf32, #tpu.memory_space<vmem>>, vector<1x512x128xf32>
    %get3A_70 = vector.shape_cast %get3A_69 : vector<1x512x128xf32> to vector<512x128xf32>
    %get3A_71 = arith.constant 5 : index
    %get3A_72 = arith.constant 0 : index
    %get3A_73 = arith.constant 0 : index
    %get3A_74 = vector.load %arg2[%get3A_71, %get3A_72, %get3A_73] : memref<20x128x128xf32, #tpu.memory_space<vmem>>, vector<1x128x128xf32>
    %get3A_75 = vector.shape_cast %get3A_74 : vector<1x128x128xf32> to vector<128x128xf32>
    %dot_general3A_76 = arith.constant dense<0.000000e+00> : vector<512x128xf32>
    %dot_general3A_77 = tpu.matmul %get3A_70, %get3A_75, %dot_general3A_76 {dimension_numbers = #tpu.dot_dimension_numbers<[1], [0], [0], [1], [0, 0, 1, 1], [], []>, transpose_lhs_hint = false} : vector<512x128xf32>, vector<128x128xf32>, vector<512x128xf32> -> vector<512x128xf32>
    %add3A_78 = arith.addf %add3A_65, %dot_general3A_77 : vector<512x128xf32>
    %get3A_79 = arith.constant 6 : index
    %get3A_80 = arith.constant 0 : index
    %get3A_81 = arith.constant 0 : index
    %get3A_82 = vector.load %arg1[%get3A_79, %get3A_80, %get3A_81] : memref<20x512x128xf32, #tpu.memory_space<vmem>>, vector<1x512x128xf32>
    %get3A_83 = vector.shape_cast %get3A_82 : vector<1x512x128xf32> to vector<512x128xf32>
    %get3A_84 = arith.constant 6 : index
    %get3A_85 = arith.constant 0 : index
    %get3A_86 = arith.constant 0 : index
    %get3A_87 = vector.load %arg2[%get3A_84, %get3A_85, %get3A_86] : memref<20x128x128xf32, #tpu.memory_space<vmem>>, vector<1x128x128xf32>
    %get3A_88 = vector.shape_cast %get3A_87 : vector<1x128x128xf32> to vector<128x128xf32>
    %dot_general3A_89 = arith.constant dense<0.000000e+00> : vector<512x128xf32>
    %dot_general3A_90 = tpu.matmul %get3A_83, %get3A_88, %dot_general3A_89 {dimension_numbers = #tpu.dot_dimension_numbers<[1], [0], [0], [1], [0, 0, 1, 1], [], []>, transpose_lhs_hint = false} : vector<512x128xf32>, vector<128x128xf32>, vector<512x128xf32> -> vector<512x128xf32>
    %add3A_91 = arith.addf %add3A_78, %dot_general3A_90 : vector<512x128xf32>
    %get3A_92 = arith.constant 7 : index
    %get3A_93 = arith.constant 0 : index
    %get3A_94 = arith.constant 0 : index
    %get3A_95 = vector.load %arg1[%get3A_92, %get3A_93, %get3A_94] : memref<20x512x128xf32, #tpu.memory_space<vmem>>, vector<1x512x128xf32>
    %get3A_96 = vector.shape_cast %get3A_95 : vector<1x512x128xf32> to vector<512x128xf32>
    %get3A_97 = arith.constant 7 : index
    %get3A_98 = arith.constant 0 : index
    %get3A_99 = arith.constant 0 : index
    %get3A_100 = vector.load %arg2[%get3A_97, %get3A_98, %get3A_99] : memref<20x128x128xf32, #tpu.memory_space<vmem>>, vector<1x128x128xf32>
    %get3A_101 = vector.shape_cast %get3A_100 : vector<1x128x128xf32> to vector<128x128xf32>
    %dot_general3A_102 = arith.constant dense<0.000000e+00> : vector<512x128xf32>
    %dot_general3A_103 = tpu.matmul %get3A_96, %get3A_101, %dot_general3A_102 {dimension_numbers = #tpu.dot_dimension_numbers<[1], [0], [0], [1], [0, 0, 1, 1], [], []>, transpose_lhs_hint = false} : vector<512x128xf32>, vector<128x128xf32>, vector<512x128xf32> -> vector<512x128xf32>
    %add3A_104 = arith.addf %add3A_91, %dot_general3A_103 : vector<512x128xf32>
    %get3A_105 = arith.constant 8 : index
    %get3A_106 = arith.constant 0 : index
    %get3A_107 = arith.constant 0 : index
    %get3A_108 = vector.load %arg1[%get3A_105, %get3A_106, %get3A_107] : memref<20x512x128xf32, #tpu.memory_space<vmem>>, vector<1x512x128xf32>
    %get3A_109 = vector.shape_cast %get3A_108 : vector<1x512x128xf32> to vector<512x128xf32>
    %get3A_110 = arith.constant 8 : index
    %get3A_111 = arith.constant 0 : index
    %get3A_112 = arith.constant 0 : index
    %get3A_113 = vector.load %arg2[%get3A_110, %get3A_111, %get3A_112] : memref<20x128x128xf32, #tpu.memory_space<vmem>>, vector<1x128x128xf32>
    %get3A_114 = vector.shape_cast %get3A_113 : vector<1x128x128xf32> to vector<128x128xf32>
    %dot_general3A_115 = arith.constant dense<0.000000e+00> : vector<512x128xf32>
    %dot_general3A_116 = tpu.matmul %get3A_109, %get3A_114, %dot_general3A_115 {dimension_numbers = #tpu.dot_dimension_numbers<[1], [0], [0], [1], [0, 0, 1, 1], [], []>, transpose_lhs_hint = false} : vector<512x128xf32>, vector<128x128xf32>, vector<512x128xf32> -> vector<512x128xf32>
    %add3A_117 = arith.addf %add3A_104, %dot_general3A_116 : vector<512x128xf32>
    %get3A_118 = arith.constant 9 : index
    %get3A_119 = arith.constant 0 : index
    %get3A_120 = arith.constant 0 : index
    %get3A_121 = vector.load %arg1[%get3A_118, %get3A_119, %get3A_120] : memref<20x512x128xf32, #tpu.memory_space<vmem>>, vector<1x512x128xf32>
    %get3A_122 = vector.shape_cast %get3A_121 : vector<1x512x128xf32> to vector<512x128xf32>
    %get3A_123 = arith.constant 9 : index
    %get3A_124 = arith.constant 0 : index
    %get3A_125 = arith.constant 0 : index
    %get3A_126 = vector.load %arg2[%get3A_123, %get3A_124, %get3A_125] : memref<20x128x128xf32, #tpu.memory_space<vmem>>, vector<1x128x128xf32>
    %get3A_127 = vector.shape_cast %get3A_126 : vector<1x128x128xf32> to vector<128x128xf32>
    %dot_general3A_128 = arith.constant dense<0.000000e+00> : vector<512x128xf32>
    %dot_general3A_129 = tpu.matmul %get3A_122, %get3A_127, %dot_general3A_128 {dimension_numbers = #tpu.dot_dimension_numbers<[1], [0], [0], [1], [0, 0, 1, 1], [], []>, transpose_lhs_hint = false} : vector<512x128xf32>, vector<128x128xf32>, vector<512x128xf32> -> vector<512x128xf32>
    %add3A_130 = arith.addf %add3A_117, %dot_general3A_129 : vector<512x128xf32>
    %get3A_131 = arith.constant 10 : index
    %get3A_132 = arith.constant 0 : index
    %get3A_133 = arith.constant 0 : index
    %get3A_134 = vector.load %arg1[%get3A_131, %get3A_132, %get3A_133] : memref<20x512x128xf32, #tpu.memory_space<vmem>>, vector<1x512x128xf32>
    %get3A_135 = vector.shape_cast %get3A_134 : vector<1x512x128xf32> to vector<512x128xf32>
    %get3A_136 = arith.constant 10 : index
    %get3A_137 = arith.constant 0 : index
    %get3A_138 = arith.constant 0 : index
    %get3A_139 = vector.load %arg2[%get3A_136, %get3A_137, %get3A_138] : memref<20x128x128xf32, #tpu.memory_space<vmem>>, vector<1x128x128xf32>
    %get3A_140 = vector.shape_cast %get3A_139 : vector<1x128x128xf32> to vector<128x128xf32>
    %dot_general3A_141 = arith.constant dense<0.000000e+00> : vector<512x128xf32>
    %dot_general3A_142 = tpu.matmul %get3A_135, %get3A_140, %dot_general3A_141 {dimension_numbers = #tpu.dot_dimension_numbers<[1], [0], [0], [1], [0, 0, 1, 1], [], []>, transpose_lhs_hint = false} : vector<512x128xf32>, vector<128x128xf32>, vector<512x128xf32> -> vector<512x128xf32>
    %add3A_143 = arith.addf %add3A_130, %dot_general3A_142 : vector<512x128xf32>
    %get3A_144 = arith.constant 11 : index
    %get3A_145 = arith.constant 0 : index
    %get3A_146 = arith.constant 0 : index
    %get3A_147 = vector.load %arg1[%get3A_144, %get3A_145, %get3A_146] : memref<20x512x128xf32, #tpu.memory_space<vmem>>, vector<1x512x128xf32>
    %get3A_148 = vector.shape_cast %get3A_147 : vector<1x512x128xf32> to vector<512x128xf32>
    %get3A_149 = arith.constant 11 : index
    %get3A_150 = arith.constant 0 : index
    %get3A_151 = arith.constant 0 : index
    %get3A_152 = vector.load %arg2[%get3A_149, %get3A_150, %get3A_151] : memref<20x128x128xf32, #tpu.memory_space<vmem>>, vector<1x128x128xf32>
    %get3A_153 = vector.shape_cast %get3A_152 : vector<1x128x128xf32> to vector<128x128xf32>
    %dot_general3A_154 = arith.constant dense<0.000000e+00> : vector<512x128xf32>
    %dot_general3A_155 = tpu.matmul %get3A_148, %get3A_153, %dot_general3A_154 {dimension_numbers = #tpu.dot_dimension_numbers<[1], [0], [0], [1], [0, 0, 1, 1], [], []>, transpose_lhs_hint = false} : vector<512x128xf32>, vector<128x128xf32>, vector<512x128xf32> -> vector<512x128xf32>
    %add3A_156 = arith.addf %add3A_143, %dot_general3A_155 : vector<512x128xf32>
    %get3A_157 = arith.constant 12 : index
    %get3A_158 = arith.constant 0 : index
    %get3A_159 = arith.constant 0 : index
    %get3A_160 = vector.load %arg1[%get3A_157, %get3A_158, %get3A_159] : memref<20x512x128xf32, #tpu.memory_space<vmem>>, vector<1x512x128xf32>
    %get3A_161 = vector.shape_cast %get3A_160 : vector<1x512x128xf32> to vector<512x128xf32>
    %get3A_162 = arith.constant 12 : index
    %get3A_163 = arith.constant 0 : index
    %get3A_164 = arith.constant 0 : index
    %get3A_165 = vector.load %arg2[%get3A_162, %get3A_163, %get3A_164] : memref<20x128x128xf32, #tpu.memory_space<vmem>>, vector<1x128x128xf32>
    %get3A_166 = vector.shape_cast %get3A_165 : vector<1x128x128xf32> to vector<128x128xf32>
    %dot_general3A_167 = arith.constant dense<0.000000e+00> : vector<512x128xf32>
    %dot_general3A_168 = tpu.matmul %get3A_161, %get3A_166, %dot_general3A_167 {dimension_numbers = #tpu.dot_dimension_numbers<[1], [0], [0], [1], [0, 0, 1, 1], [], []>, transpose_lhs_hint = false} : vector<512x128xf32>, vector<128x128xf32>, vector<512x128xf32> -> vector<512x128xf32>
    %add3A_169 = arith.addf %add3A_156, %dot_general3A_168 : vector<512x128xf32>
    %get3A_170 = arith.constant 13 : index
    %get3A_171 = arith.constant 0 : index
    %get3A_172 = arith.constant 0 : index
    %get3A_173 = vector.load %arg1[%get3A_170, %get3A_171, %get3A_172] : memref<20x512x128xf32, #tpu.memory_space<vmem>>, vector<1x512x128xf32>
    %get3A_174 = vector.shape_cast %get3A_173 : vector<1x512x128xf32> to vector<512x128xf32>
    %get3A_175 = arith.constant 13 : index
    %get3A_176 = arith.constant 0 : index
    %get3A_177 = arith.constant 0 : index
    %get3A_178 = vector.load %arg2[%get3A_175, %get3A_176, %get3A_177] : memref<20x128x128xf32, #tpu.memory_space<vmem>>, vector<1x128x128xf32>
    %get3A_179 = vector.shape_cast %get3A_178 : vector<1x128x128xf32> to vector<128x128xf32>
    %dot_general3A_180 = arith.constant dense<0.000000e+00> : vector<512x128xf32>
    %dot_general3A_181 = tpu.matmul %get3A_174, %get3A_179, %dot_general3A_180 {dimension_numbers = #tpu.dot_dimension_numbers<[1], [0], [0], [1], [0, 0, 1, 1], [], []>, transpose_lhs_hint = false} : vector<512x128xf32>, vector<128x128xf32>, vector<512x128xf32> -> vector<512x128xf32>
    %add3A_182 = arith.addf %add3A_169, %dot_general3A_181 : vector<512x128xf32>
    %get3A_183 = arith.constant 14 : index
    %get3A_184 = arith.constant 0 : index
    %get3A_185 = arith.constant 0 : index
    %get3A_186 = vector.load %arg1[%get3A_183, %get3A_184, %get3A_185] : memref<20x512x128xf32, #tpu.memory_space<vmem>>, vector<1x512x128xf32>
    %get3A_187 = vector.shape_cast %get3A_186 : vector<1x512x128xf32> to vector<512x128xf32>
    %get3A_188 = arith.constant 14 : index
    %get3A_189 = arith.constant 0 : index
    %get3A_190 = arith.constant 0 : index
    %get3A_191 = vector.load %arg2[%get3A_188, %get3A_189, %get3A_190] : memref<20x128x128xf32, #tpu.memory_space<vmem>>, vector<1x128x128xf32>
    %get3A_192 = vector.shape_cast %get3A_191 : vector<1x128x128xf32> to vector<128x128xf32>
    %dot_general3A_193 = arith.constant dense<0.000000e+00> : vector<512x128xf32>
    %dot_general3A_194 = tpu.matmul %get3A_187, %get3A_192, %dot_general3A_193 {dimension_numbers = #tpu.dot_dimension_numbers<[1], [0], [0], [1], [0, 0, 1, 1], [], []>, transpose_lhs_hint = false} : vector<512x128xf32>, vector<128x128xf32>, vector<512x128xf32> -> vector<512x128xf32>
    %add3A_195 = arith.addf %add3A_182, %dot_general3A_194 : vector<512x128xf32>
    %get3A_196 = arith.constant 15 : index
    %get3A_197 = arith.constant 0 : index
    %get3A_198 = arith.constant 0 : index
    %get3A_199 = vector.load %arg1[%get3A_196, %get3A_197, %get3A_198] : memref<20x512x128xf32, #tpu.memory_space<vmem>>, vector<1x512x128xf32>
    %get3A_200 = vector.shape_cast %get3A_199 : vector<1x512x128xf32> to vector<512x128xf32>
    %get3A_201 = arith.constant 15 : index
    %get3A_202 = arith.constant 0 : index
    %get3A_203 = arith.constant 0 : index
    %get3A_204 = vector.load %arg2[%get3A_201, %get3A_202, %get3A_203] : memref<20x128x128xf32, #tpu.memory_space<vmem>>, vector<1x128x128xf32>
    %get3A_205 = vector.shape_cast %get3A_204 : vector<1x128x128xf32> to vector<128x128xf32>
    %dot_general3A_206 = arith.constant dense<0.000000e+00> : vector<512x128xf32>
    %dot_general3A_207 = tpu.matmul %get3A_200, %get3A_205, %dot_general3A_206 {dimension_numbers = #tpu.dot_dimension_numbers<[1], [0], [0], [1], [0, 0, 1, 1], [], []>, transpose_lhs_hint = false} : vector<512x128xf32>, vector<128x128xf32>, vector<512x128xf32> -> vector<512x128xf32>
    %add3A_208 = arith.addf %add3A_195, %dot_general3A_207 : vector<512x128xf32>
    %get3A_209 = arith.constant 16 : index
    %get3A_210 = arith.constant 0 : index
    %get3A_211 = arith.constant 0 : index
    %get3A_212 = vector.load %arg1[%get3A_209, %get3A_210, %get3A_211] : memref<20x512x128xf32, #tpu.memory_space<vmem>>, vector<1x512x128xf32>
    %get3A_213 = vector.shape_cast %get3A_212 : vector<1x512x128xf32> to vector<512x128xf32>
    %get3A_214 = arith.constant 16 : index
    %get3A_215 = arith.constant 0 : index
    %get3A_216 = arith.constant 0 : index
    %get3A_217 = vector.load %arg2[%get3A_214, %get3A_215, %get3A_216] : memref<20x128x128xf32, #tpu.memory_space<vmem>>, vector<1x128x128xf32>
    %get3A_218 = vector.shape_cast %get3A_217 : vector<1x128x128xf32> to vector<128x128xf32>
    %dot_general3A_219 = arith.constant dense<0.000000e+00> : vector<512x128xf32>
    %dot_general3A_220 = tpu.matmul %get3A_213, %get3A_218, %dot_general3A_219 {dimension_numbers = #tpu.dot_dimension_numbers<[1], [0], [0], [1], [0, 0, 1, 1], [], []>, transpose_lhs_hint = false} : vector<512x128xf32>, vector<128x128xf32>, vector<512x128xf32> -> vector<512x128xf32>
    %add3A_221 = arith.addf %add3A_208, %dot_general3A_220 : vector<512x128xf32>
    %get3A_222 = arith.constant 17 : index
    %get3A_223 = arith.constant 0 : index
    %get3A_224 = arith.constant 0 : index
    %get3A_225 = vector.load %arg1[%get3A_222, %get3A_223, %get3A_224] : memref<20x512x128xf32, #tpu.memory_space<vmem>>, vector<1x512x128xf32>
    %get3A_226 = vector.shape_cast %get3A_225 : vector<1x512x128xf32> to vector<512x128xf32>
    %get3A_227 = arith.constant 17 : index
    %get3A_228 = arith.constant 0 : index
    %get3A_229 = arith.constant 0 : index
    %get3A_230 = vector.load %arg2[%get3A_227, %get3A_228, %get3A_229] : memref<20x128x128xf32, #tpu.memory_space<vmem>>, vector<1x128x128xf32>
    %get3A_231 = vector.shape_cast %get3A_230 : vector<1x128x128xf32> to vector<128x128xf32>
    %dot_general3A_232 = arith.constant dense<0.000000e+00> : vector<512x128xf32>
    %dot_general3A_233 = tpu.matmul %get3A_226, %get3A_231, %dot_general3A_232 {dimension_numbers = #tpu.dot_dimension_numbers<[1], [0], [0], [1], [0, 0, 1, 1], [], []>, transpose_lhs_hint = false} : vector<512x128xf32>, vector<128x128xf32>, vector<512x128xf32> -> vector<512x128xf32>
    %add3A_234 = arith.addf %add3A_221, %dot_general3A_233 : vector<512x128xf32>
    %get3A_235 = arith.constant 18 : index
    %get3A_236 = arith.constant 0 : index
    %get3A_237 = arith.constant 0 : index
    %get3A_238 = vector.load %arg1[%get3A_235, %get3A_236, %get3A_237] : memref<20x512x128xf32, #tpu.memory_space<vmem>>, vector<1x512x128xf32>
    %get3A_239 = vector.shape_cast %get3A_238 : vector<1x512x128xf32> to vector<512x128xf32>
    %get3A_240 = arith.constant 18 : index
    %get3A_241 = arith.constant 0 : index
    %get3A_242 = arith.constant 0 : index
    %get3A_243 = vector.load %arg2[%get3A_240, %get3A_241, %get3A_242] : memref<20x128x128xf32, #tpu.memory_space<vmem>>, vector<1x128x128xf32>
    %get3A_244 = vector.shape_cast %get3A_243 : vector<1x128x128xf32> to vector<128x128xf32>
    %dot_general3A_245 = arith.constant dense<0.000000e+00> : vector<512x128xf32>
    %dot_general3A_246 = tpu.matmul %get3A_239, %get3A_244, %dot_general3A_245 {dimension_numbers = #tpu.dot_dimension_numbers<[1], [0], [0], [1], [0, 0, 1, 1], [], []>, transpose_lhs_hint = false} : vector<512x128xf32>, vector<128x128xf32>, vector<512x128xf32> -> vector<512x128xf32>
    %add3A_247 = arith.addf %add3A_234, %dot_general3A_246 : vector<512x128xf32>
    %get3A_248 = arith.constant 19 : index
    %get3A_249 = arith.constant 0 : index
    %get3A_250 = arith.constant 0 : index
    %get3A_251 = vector.load %arg1[%get3A_248, %get3A_249, %get3A_250] : memref<20x512x128xf32, #tpu.memory_space<vmem>>, vector<1x512x128xf32>
    %get3A_252 = vector.shape_cast %get3A_251 : vector<1x512x128xf32> to vector<512x128xf32>
    %get3A_253 = arith.constant 19 : index
    %get3A_254 = arith.constant 0 : index
    %get3A_255 = arith.constant 0 : index
    %get3A_256 = vector.load %arg2[%get3A_253, %get3A_254, %get3A_255] : memref<20x128x128xf32, #tpu.memory_space<vmem>>, vector<1x128x128xf32>
    %get3A_257 = vector.shape_cast %get3A_256 : vector<1x128x128xf32> to vector<128x128xf32>
    %dot_general3A_258 = arith.constant dense<0.000000e+00> : vector<512x128xf32>
    %dot_general3A_259 = tpu.matmul %get3A_252, %get3A_257, %dot_general3A_258 {dimension_numbers = #tpu.dot_dimension_numbers<[1], [0], [0], [1], [0, 0, 1, 1], [], []>, transpose_lhs_hint = false} : vector<512x128xf32>, vector<128x128xf32>, vector<512x128xf32> -> vector<512x128xf32>
    %add3A_260 = arith.addf %add3A_247, %dot_general3A_259 : vector<512x128xf32>
    %swap3A = arith.constant 0 : index
    %swap3A_261 = arith.constant 0 : index
    %swap3A_262 = vector.load %arg4[%swap3A, %swap3A_261] : memref<512x128xf32, #tpu.memory_space<vmem>>, vector<512x128xf32>
    tpu.vector_store %arg4[%swap3A, %swap3A_261], %add3A_260 {strides = array<i32>} : memref<512x128xf32, #tpu.memory_space<vmem>>, vector<512x128xf32>,
    return
  }
  func.func @transform_0(%arg0: i32) -> (i32, i32, i32) {
    %c0_i32 = arith.constant 0 : i32
    %c0_i32_0 = arith.constant 0 : i32
    %c0_i32_1 = arith.constant 0 : i32
    return %c0_i32, %arg0, %c0_i32_0 : i32, i32, i32
  }
  func.func @transform_1(%arg0: i32) -> (i32, i32, i32) {
    %c0_i32 = arith.constant 0 : i32
    %c0_i32_0 = arith.constant 0 : i32
    %c0_i32_1 = arith.constant 0 : i32
    %c0_i32_2 = arith.constant 0 : i32
    return %c0_i32, %c0_i32_0, %c0_i32_1 : i32, i32, i32
  }
  func.func @transform_2(%arg0: i32) -> (i32, i32) {
    %c0_i32 = arith.constant 0 : i32
    %c0_i32_0 = arith.constant 0 : i32
    %c0_i32_1 = arith.constant 0 : i32
    return %c0_i32, %c0_i32_0 : i32, i32
  }
  func.func @transform_3(%arg0: i32) -> (i32, i32) {
    %c0_i32 = arith.constant 0 : i32
    %c0_i32_0 = arith.constant 0 : i32
    return %arg0, %c0_i32 : i32, i32
  }
}

</mosaic_0001>

<sc_bundles>
// kernel: kernel.4.cloned.1.call-start
scs
__scs_entry_jumppad:
0x0: {  	(pc) =	sbr.rel $0x88, $3  }
0x1: {  	(tag) =	ssettag $0x0;
	lr =	simm.s32 $0x1  }
0x2: {  	[smem:$0x3F9D] =	sst lr;
	_ =	strace $0xD0000000  }
0x3: {  	_ = 	snop  }
0x4: {  	_ = 	snop  }
0x5: {  	_ = 	snop  }
0x6: {  	_ = 	snop  }
0x7: {  	_ = 	snop  }
__scs_overlays_trampoline_lowered:
0x8: {  	[smem:$0x3FAC] =	sst s0  }
0x9: {  	[smem:$0x3FAD] =	sst s1  }
0xa: {  	[smem:$0x3FAE] =	sst s2  }
0xb: {  	[smem:$0x3FAF] =	sst s3  }
0xc: {  	[smem:$0x3FB0] =	sst s4  }
0xd: {  	[smem:$0x3FB1] =	sst s5  }
0xe: {  	[smem:$0x3FB2] =	sst s6  }
0xf: {  	[smem:$0x3FB3] =	sst s7  }
0x10: {  	[smem:$0x3FB4] =	sst s8  }
0x11: {  	[smem:$0x3FB5] =	sst s9;
	s0 =	simm.s32 @!p0 $0x0  }
0x12: {  	s1 =	sld [smem:$0x3F9B];
	s0 =	simm.s32 @p0 $0x1  }
0x13: {  	[smem:$0x3FB6] =	sst s0;
	s0 =	simm.s32 @!p1 $0x0  }
0x14: {  	s2 =	sld [smem:$0x3F9A];
	s0 =	simm.s32 @p1 $0x1  }
0x15: {  	[smem:$0x3FB7] =	sst s0;
	s0 =	simm.s32 @!p2 $0x0  }
0x16: {  	s3 =	sld [smem:$0x3FDB];
	s0 =	simm.s32 @p2 $0x1  }
0x17: {  	s4 =	simm.s32 $0x1BF5;
	[smem:$0x3FB9] =	sst s0  }
0x18: {  	s0 =	sld [smem:$0x3F9C];
	_ =	swait.ge [sflag:s4], $0x0  }
0x19: {  	s7 =	sld [smem:$0x3F9D]  }
0x1a: {  	s8 =	sadd.s32 $0xFFFFE003, lr  }
0x1b: {  	s9 =	sadd.s32 $0xFFFFFEF7, lr;
	s5 =	simm.s32 $0xFFFFFFFF;
	p2 =	slt.u32 s8, $0xFFFFF086  }
0x1c: {  	p1 =	slt.u32 s9, $0xF7A;
	s5 =	simm.s32 @!p2 $0x0  }
0x1d: {  	s5 =	simm.s32 @p1 $0x1;
	p0 =	seq.s32 s7, s2  }
0x1e: {  	s7 =	smul.u32 @!p0 $0xF7A, s2;
	p2 =	seq.s32 @!p0 s5, $0x0  }
0x1f: {  	s9 =	smul.u32 $0xF7A, s1;
	s8 =	simm.s32 @!p0 $0x1BF5;
	p2 =	por !p2, p0  }
0x20: {  	[sflag:s8] =	ssyncset.s32 @!p0 $0xFFFFF086;
	s6 =	sadd.s32 @!p0 s3, s7;
	s7 =	simm.s32 @!p0 $0x108  }
0x21: {  	s3 =	sadd.s32 s3, s9;
	s6 =	sadd.s32 @!p0 $0x88, s6;
	s7 =	simm.s32 @p2 $0x1082  }
0x22: {  	[simem:s7], [sflag:s8] =	dma.local @!p0 [hbm:s6], $0xF7A  }
0x23: {  	s9 =	sor.u32 $0xD0000000, s2;
	s6 =	simm.s32 $0x108;
	_ =	swait.ge @!p0 [sflag:s8], $0x0  }
0x24: {  	s3 =	sadd.s32 $0x88, s3;
	s6 =	simm.s32 @!p1 $0x1082;
	[sflag:s4] =	ssyncset.s32 $0xFFFFF086  }
0x25: {  	[simem:s6], [sflag:s4] =	dma.local [hbm:s3], $0xF7A  }
0x26: {  	[smem:$0x3F9D] =	sst s1;
	(tag) =	ssettag s2;
	_ =	strace s9  }
0x27: {  	s1 =	sld [smem:$0x3FAD]  }
0x28: {  	s2 =	sld [smem:$0x3FAE]  }
0x29: {  	s4 =	sld [smem:$0x3FB0]  }
0x2a: {  	p0 =	seq.s32 s5, $0x0;
	s5 =	sld [smem:$0x3FB1]  }
0x2b: {  	s6 =	sld [smem:$0x3FB2]  }
0x2c: {  	s7 =	sld [smem:$0x3FB3]  }
0x2d: {  	s3 =	simm.s32 $0x108;
	s8 =	sld [smem:$0x3FB4]  }
0x2e: {  	s3 =	simm.s32 @!p0 $0x1082;
	s9 =	sld [smem:$0x3FB5]  }
0x2f: {  	lr =	sadd.s32 s0, s3;
	s0 =	sld [smem:$0x3FAC]  }
0x30: {  	s3 =	sld [smem:$0x3FAF]  }
0x31: {  	[smem:$0x3FB8] =	sst s10  }
0x32: {  	s10 =	sld [smem:$0x3FB6];
	_ =	sdelay $0x3  }
0x33: {  	p0 =	seq.s32 s10, $0x1;
	s10 =	sld [smem:$0x3FB8];
	_ =	sdelay $0x3  }
0x34: {  	[smem:$0x3FB8] =	sst s10  }
0x35: {  	s10 =	sld [smem:$0x3FB7];
	_ =	sdelay $0x3  }
0x36: {  	p1 =	seq.s32 s10, $0x1;
	s10 =	sld [smem:$0x3FB8];
	_ =	sdelay $0x3  }
0x37: {  	[smem:$0x3FB8] =	sst s10  }
0x38: {  	s10 =	sld [smem:$0x3FB9]  }
0x39: {  	_ = 	snop;
	(pc) =	sbr.ind lr, $3  }
0x3a: {  	_ = 	snop  }
0x3b: {  	_ = 	snop  }
0x3c: {  	p2 =	seq.s32 s10, $0x1;
	s10 =	sld [smem:$0x3FB8]  }
0x3d: {  	_ =	shalt  }
0x3e: {  	_ =	shalt  }
0x3f: {  	_ =	shalt  }
0x40: {  	_ =	shalt  }
0x41: {  	_ =	shalt  }
0x42: {  	_ =	shalt  }
0x43: {  	_ =	shalt  }
0x44: {  	_ =	shalt  }
0x45: {  	_ =	shalt  }
0x46: {  	_ =	shalt  }
0x47: {  	_ =	shalt  }
0x48: {  	_ =	shalt  }
0x49: {  	_ =	shalt  }
0x4a: {  	_ =	shalt  }
0x4b: {  	_ =	shalt  }
0x4c: {  	_ =	shalt  }
0x4d: {  	_ =	shalt  }
0x4e: {  	_ =	shalt  }
0x4f: {  	_ =	shalt  }
0x50: {  	_ =	shalt  }
0x51: {  	_ =	shalt  }
0x52: {  	_ =	shalt  }
0x53: {  	_ =	shalt  }
0x54: {  	_ =	shalt  }
0x55: {  	_ =	shalt  }
0x56: {  	_ =	shalt  }
0x57: {  	_ =	shalt  }
0x58: {  	_ =	shalt  }
0x59: {  	_ =	shalt  }
0x5a: {  	_ =	shalt  }
0x5b: {  	_ =	shalt  }
0x5c: {  	_ =	shalt  }
0x5d: {  	_ =	shalt  }
0x5e: {  	_ =	shalt  }
0x5f: {  	_ =	shalt  }
0x60: {  	_ =	shalt  }
0x61: {  	_ =	shalt  }
0x62: {  	_ =	shalt  }
0x63: {  	_ =	shalt  }
0x64: {  	_ =	shalt  }
0x65: {  	_ =	shalt  }
0x66: {  	_ =	shalt  }
0x67: {  	_ =	shalt  }
0x68: {  	_ =	shalt  }
0x69: {  	_ =	shalt  }
0x6a: {  	_ =	shalt  }
0x6b: {  	_ =	shalt  }
0x6c: {  	_ =	shalt  }
0x6d: {  	_ =	shalt  }
0x6e: {  	_ =	shalt  }
0x6f: {  	_ =	shalt  }
0x70: {  	_ =	shalt  }
0x71: {  	_ =	shalt  }
0x72: {  	_ =	shalt  }
0x73: {  	_ =	shalt  }
0x74: {  	_ =	shalt  }
0x75: {  	_ =	shalt  }
0x76: {  	_ =	shalt  }
0x77: {  	_ =	shalt  }
0x78: {  	_ =	shalt  }
0x79: {  	_ =	shalt  }
0x7a: {  	_ =	shalt  }
0x7b: {  	_ =	shalt  }
0x7c: {  	_ =	shalt  }
0x7d: {  	_ =	shalt  }
0x7e: {  	_ =	shalt  }
0x7f: {  	_ =	shalt  }
0x80: {  	_ =	shalt  }
0x81: {  	_ =	shalt  }
0x82: {  	_ =	shalt  }
0x83: {  	_ =	shalt  }
0x84: {  	_ =	shalt  }
0x85: {  	_ =	shalt  }
0x86: {  	_ =	shalt  }
0x87: {  	_ =	shalt  }
.Lfunc_end0:
.L_simem_size_0:
called_computation_lowered:
.L_overlay_start_0:
0x88: {  	s2 =	sld [smem:$0x3FD9]  }
0x89: {  	s3 =	sld [smem:$0x3FFE];
	_ =	sdelay $0x1  }
0x8a: {  	s1 =	srdreg.scid  }
0x8b: {  	s0 =	sand.u32 $0x1, s1  }
0x8c: {  	s17 =	sshll.u32 s0, $0xA;
	s2 =	sadd.s32 s3, s2  }
0x8d: {  	s2 =	sadd.s32 s2, s17  }
0x8e: {  	[smem:$0x3FC4] =	sst s2  }
0x8f: {  	_ = 	snop  }
0x90: {  	s2 =	sld [smem:$0x3FD0];
	(tm) =	ssettm $0x1  }
0x91: {  	s18 =	sld [smem:$0x3FFB];
	_ =	sdelay $0x3  }
0x92: {  	_ =	strace s18  }
0x93: {  	s3 =	sld [smem:$0x3FFC];
	_ =	sdelay $0x3  }
0x94: {  	_ =	strace s3  }
0x95: {  	s3 =	sld [smem:$0x3FFD];
	_ =	sdelay $0x3  }
0x96: {  	_ =	strace s3  }
0x97: {  	_ =	strace $0x8FFFFFFF  }
0x98: {  	s19 =	sld [smem:$0x3FDB];
	_ =	sdelay $0x1  }
0x99: {  	s4 =	simm.s32 $_scs_section_size  }
0x9a: {  	s5 =	simm.s32 $_size__tile_overlayer_lowered;
	s6 =	simm.s32 $_tile_overlayer_lowered  }
0x9b: {  	s22 =	simm.s32 $0x1BFF;
	s21 =	sshll.u32 s6, $0x1;
	s3 =	sadd.s32 s4, s19  }
0x9c: {  	s7 =	simm.s32 $0x0;
	s20 =	sshll.u32 s5, $0x1;
	s5 =	sadd.s32 s21, s3  }
0x9d: {  	[timem:s7], [sflag:s22] =	dma.local [hbm:s5], s20  }
0x9e: {  	_ =	swait.ge [sflag:s22], s20  }
0x9f: {  	s4 =	ssub.s32 $0x0, s20;
	[sflag:s22] =	ssyncset.done $0x0  }
0xa0: {  	[sflag:s22] =	ssyncadd.s32 s4;
	_ =	sdelay $0x1  }
0xa1: {  	s23 =	simm.s32 $0x1B8B  }
0xa2: {  	_ =	swait.ge [sflag:s23], $0x1  }
0xa3: {  	[sflag:s23] =	ssyncset.done $0x0  }
0xa4: {  	s25 =	simm.s32 $0x1B8E;
	s24 =	sld [smem:$0x3FFE];
	[sflag:s23] =	ssyncadd.s32 $0xFFFFFFFF  }
0xa5: {  	s26 =	simm.s32 $execute0_lowered;
	[smem:$0x3FD2] =	sst s25  }
0xa6: {  	s5 =	sshll.u32 s26, $0x1;
	_ =	strace $0x80000046;
	[dreg:$0x1] =	wrdreg $0xFFFFFFFF  }
0xa7: {  	s28 =	simm.s32 $_size_execute0_lowered;
	s3 =	sadd.s32 s3, s5;
	[dreg:$0x0] =	wrdreg $0x0  }
0xa8: {  	s5 =	sshll.u32 s28, $0x1;
	[dreg:$0x2] =	wrdreg s3  }
0xa9: {  	[dreg:$0x3] =	wrdreg s5  }
0xaa: {  	[dreg:$0x4] =	wrdreg $0xC0  }
0xab: {  	_ =	task [dreg:s7], $0x5FFFF  }
0xac: {  	[dreg:$0x1] =	wrdreg $0xFFFFFFFF  }
0xad: {  	[dreg:$0x0] =	wrdreg $0x60  }
0xae: {  	[dreg:$0x2] =	wrdreg s2  }
0xaf: {  	[dreg:$0x3] =	wrdreg s24  }
0xb0: {  	[dreg:$0x4] =	wrdreg $0x9  }
0xb1: {  	_ =	task.clear_ibuf [dreg:s7], $0x5FFFF;
	_ =	strace $0x90000046  }
0xb2: {  	s29 =	simm.s32 $0x9;
	_ =	strace $0x80000048  }
0xb3: {  	_ =	swait.ge [sflag:s29], $0x1  }
0xb4: {  	[sflag:s29] =	ssyncadd.s32 $0xFFFFFFFF  }
0xb5: {  	_ =	strace $0x90000048  }
0xb6: {  	_ =	sfence  }
0xb7: {  	s30 =	sld [smem:$0x0];
	_ =	sdelay $0x2  }
0xb8: {  	s31 =	sshll.u32 s1, $0xD;
	s1 =	sshrl.u32 s1, $0x2  }
0xb9: {  	s3 =	sand.u32 $0x4000, s31;
	s1 =	sadd.s32 s1, s30  }
0xba: {  	s0 =	sor.u32 s3, s0;
	s1 =	sshll.u32 s1, $0x11  }
0xbb: {  	s0 =	sor.u32 s1, s0  }
0xbc: {  	s0 =	sadd.s32 $0x8F2B, s0  }
0xbd: {  	[sflag:s0] =	ssyncadd.remote.s32 $0x1  }
0xbe: {  	_ =	sfence.sel $0xFFFF  }
0xbf: {  	[dreg:$0x0] =	wrdreg $0xFFFFFFFF;
	(pc) =	sbr.abs _section_cstart, $3  }
0xc0: {  	[dreg:$0x1] =	wrdreg $0xFFFFFFFF  }
0xc1: {  	_ =	task.clear_ibuf [dreg:s7], $0x2FFFF;
	_ =	strace $0x9FFFFFFF  }
0xc2: {  	(tm) =	ssettm $0x7FFFFFFF  }
0xc3: {  	_ =	shalt  }
tec
execute0_lowered:
.L_overlay_start_1:
0x0: {  	(tag) =	ssettag $0x1  }
0x1: {  	s1 =	rddreg [dreg:$0x0]  }
0x2: {  	s4 =	rddreg [dreg:$0x1];
	s2 =	simm.s32 $0x0  }
0x3: {  	s7 =	simm.s32 $0x100;
	[smem:$0x7FF] =	sst s2  }
0x4: {  	s8 =	simm.s32 $0x2A00;
	_ =	strace $0x80000047;
	[dreg:$0x6] =	wrdreg s7  }
0x5: {  	s9 =	simm.s32 $0x180;
	[dreg:$0x7] =	wrdreg s8  }
0x6: {  	s10 =	simm.s32 $0x3A00;
	[dreg:$0x8] =	wrdreg s9  }
0x7: {  	s11 =	simm.s32 $0x200;
	[dreg:$0x9] =	wrdreg s10  }
0x8: {  	s12 =	simm.s32 $0x4A00;
	[dreg:$0xa] =	wrdreg s11  }
0x9: {  	s0 =	srdreg.scid;
	s13 =	simm.s32 $0x280;
	[dreg:$0xb] =	wrdreg s12  }
0xa: {  	s6 =	stileid.u32;
	s15 =	simm.s32 $0x5A00;
	[dreg:$0xc] =	wrdreg s13  }
0xb: {  	s16 =	simm.s32 $0x300;
	s18 =	simm.s32 $0x6A00;
	[dreg:$0xd] =	wrdreg s15  }
0xc: {  	s20 =	simm.s32 $0x380;
	s21 =	simm.s32 $0x7A00;
	[dreg:$0xe] =	wrdreg s16  }
0xd: {  	s22 =	simm.s32 $0x400;
	s23 =	simm.s32 $0x8A00;
	[dreg:$0xf] =	wrdreg s18  }
0xe: {  	s24 =	simm.s32 $0x480;
	s25 =	simm.s32 $0x9A00;
	[dreg:$0x10] =	wrdreg s20  }
0xf: {  	s26 =	simm.s32 $0x500;
	s31 =	simm.s32 $0xAA00;
	[dreg:$0x11] =	wrdreg s21  }
0x10: {  	s28 =	simm.s32 $0x1;
	s29 =	simm.s32 $0x1000;
	[dreg:$0x12] =	wrdreg s22  }
0x11: {  	s30 =	simm.s32 $0x80000;
	s0 =	sand.u32 $0x1, s0;
	[dreg:$0x13] =	wrdreg s23  }
0x12: {  	s3 =	sshll.u32 s6, $0xA;
	s14 =	sshll.u32 s6, $0xC;
	[dreg:$0x14] =	wrdreg s24  }
0x13: {  	s6 =	simm.s32 $0x80;
	s5 =	sshll.u32 s0, $0x9;
	[dreg:$0x15] =	wrdreg s25  }
0x14: {  	s17 =	ssub.s32 $0x2, s0;
	s0 =	sshll.u32 s0, $0xB;
	[dreg:$0x16] =	wrdreg s26  }
0x15: {  	s7 =	simm.s32 $0x2;
	s8 =	simm.s32 $0xA00;
	[dreg:$0x17] =	wrdreg s31  }
0x16: {  	s9 =	simm.s32 $0x580;
	s10 =	simm.s32 $0xBA00;
	s11 =	simm.s32 $0x600  }
0x17: {  	s12 =	simm.s32 $0xCA00;
	s13 =	simm.s32 $0x680;
	s15 =	simm.s32 $0x700  }
0x18: {  	s16 =	simm.s32 $0xEA00;
	s18 =	simm.s32 $0xFA00;
	s20 =	simm.s32 $0x10A00  }
0x19: {  	s21 =	simm.s32 $0x880;
	s22 =	simm.s32 $0x11A00;
	s23 =	simm.s32 $0x900  }
0x1a: {  	s24 =	simm.s32 $0x12A00;
	s25 =	simm.s32 $0x980;
	s26 =	simm.s32 $0x13A00  }
0x1b: {  	s3 =	sor.u32 s5, s3;
	s5 =	simm.s32 $0x1A00;
	s19 =	sshrl.u32 s17, $0x1  }
0x1c: {  	s3 =	sshrl.u32 s3, $0x3;
	[dreg:$0x5] =	wrdreg s5;
	s5 =	ssub.s32 s17, s19  }
0x1d: {  	s17 =	simm.s32 $0x780;
	s1 =	sadd.s32 s3, s1;
	s3 =	simm.s32 $0x4000  }
0x1e: {  	[dreg:$0x4] =	wrdreg s3;
	s3 =	sadd.s32 $0x187600, s4;
	s4 =	sadd.s32 s14, s4  }
0x1f: {  	s5 =	smax.u32 s5, $0x1;
	[dreg:$0x3] =	wrdreg s1;
	s0 =	sadd.s32 s0, s4  }
0x20: {  	s19 =	simm.s32 $0x800;
	[dreg:$0x18] =	wrdreg s5;
	s0 =	sadd.s32 $0xA00, s0  }
0x21: {  	s14 =	simm.s32 $0xDA00;
	s1 =	simm.s32 $0x0;
	[dreg:$0x19] =	wrdreg s0  }
.LBB2_1:
0x22: {  	[dreg:$0x1a] =	wrdreg s1  }
0x23: {  	s0 =	rddreg [dreg:$0x3]  }
0x24: {  	s5 =	rddreg [dreg:$0x4];
	s0 =	sadd.s32 $0x0, s0  }
0x25: {  	[tilespmem:s2], [sflag:$0x2] =	stream.strided.gather [hbm4b:s0+s6], $0xA00, s5, s6, $0x38;
	[tilespmem:$0x14A00] =	vst v63  }
0x26: {  	_ =	swait.ge [sflag:s7], $0xA00  }
0x27: {  	s0 =	rddreg [dreg:$0x6]  }
0x28: {  	s31 =	rddreg [dreg:$0x5]  }
0x29: {  	[sflag:s7] =	ssyncset.done $0x0;
	s5 =	rddreg [dreg:$0x7]  }
0x2a: {  	s4 =	rddreg [dreg:$0x9];
	[sflag:s7] =	ssyncadd.s32 $0xFFFFF600  }
0x2b: {  	[tilespmem:s8], [sflag:$0x1] =	stream.indirect.gather [hbm4b:s3+s6], $0x20, s2, s6, $0xb8;
	[tilespmem:$0x14A00] =	vst v63  }
0x2c: {  	s1 =	rddreg [dreg:$0x8]  }
0x2d: {  	[tilespmem:s31], [sflag:$0x1] =	stream.indirect.gather [hbm4b:s3+s6], $0x20, s6, s6, $0xb8;
	[tilespmem:$0x14A00] =	vst v63  }
0x2e: {  	s31 =	rddreg [dreg:$0xa]  }
0x2f: {  	[tilespmem:s5], [sflag:$0x1] =	stream.indirect.gather [hbm4b:s3+s6], $0x20, s0, s6, $0xb8;
	[tilespmem:$0x14A00] =	vst v63  }
0x30: {  	s5 =	rddreg [dreg:$0xb]  }
0x31: {  	[tilespmem:s4], [sflag:$0x1] =	stream.indirect.gather [hbm4b:s3+s6], $0x20, s1, s6, $0xb8;
	[tilespmem:$0x14A00] =	vst v63  }
0x32: {  	s1 =	rddreg [dreg:$0xd]  }
0x33: {  	s4 =	rddreg [dreg:$0xc]  }
0x34: {  	[tilespmem:s5], [sflag:$0x1] =	stream.indirect.gather [hbm4b:s3+s6], $0x20, s31, s6, $0xb8;
	[tilespmem:$0x14A00] =	vst v63  }
0x35: {  	s5 =	rddreg [dreg:$0xf]  }
0x36: {  	s31 =	rddreg [dreg:$0xe]  }
0x37: {  	[tilespmem:s1], [sflag:$0x1] =	stream.indirect.gather [hbm4b:s3+s6], $0x20, s4, s6, $0xb8;
	[tilespmem:$0x14A00] =	vst v63  }
0x38: {  	s1 =	rddreg [dreg:$0x11]  }
0x39: {  	s4 =	rddreg [dreg:$0x10]  }
0x3a: {  	[tilespmem:s5], [sflag:$0x1] =	stream.indirect.gather [hbm4b:s3+s6], $0x20, s31, s6, $0xb8;
	[tilespmem:$0x14A00] =	vst v63  }
0x3b: {  	s5 =	rddreg [dreg:$0x13]  }
0x3c: {  	s31 =	rddreg [dreg:$0x12]  }
0x3d: {  	[tilespmem:s1], [sflag:$0x1] =	stream.indirect.gather [hbm4b:s3+s6], $0x20, s4, s6, $0xb8;
	[tilespmem:$0x14A00] =	vst v63  }
0x3e: {  	s1 =	rddreg [dreg:$0x15]  }
0x3f: {  	s4 =	rddreg [dreg:$0x14]  }
0x40: {  	[tilespmem:s5], [sflag:$0x1] =	stream.indirect.gather [hbm4b:s3+s6], $0x20, s31, s6, $0xb8;
	[tilespmem:$0x14A00] =	vst v63  }
0x41: {  	s5 =	rddreg [dreg:$0x17]  }
0x42: {  	[tilespmem:s1], [sflag:$0x1] =	stream.indirect.gather [hbm4b:s3+s6], $0x20, s4, s6, $0xb8;
	[tilespmem:$0x14A00] =	vst v63  }
0x43: {  	s31 =	rddreg [dreg:$0x16]  }
0x44: {  	[tilespmem:s5], [sflag:$0x1] =	stream.indirect.gather [hbm4b:s3+s6], $0x20, s31, s6, $0xb8;
	[tilespmem:$0x14A00] =	vst v63  }
0x45: {  	_ = 	snop  }
0x46: {  	[tilespmem:s10], [sflag:$0x1] =	stream.indirect.gather [hbm4b:s3+s6], $0x20, s9, s6, $0xb8;
	[tilespmem:$0x14A00] =	vst v63  }
0x47: {  	_ = 	snop  }
0x48: {  	[tilespmem:s12], [sflag:$0x1] =	stream.indirect.gather [hbm4b:s3+s6], $0x20, s11, s6, $0xb8;
	[tilespmem:$0x14A00] =	vst v63  }
0x49: {  	_ = 	snop  }
0x4a: {  	[tilespmem:s14], [sflag:$0x1] =	stream.indirect.gather [hbm4b:s3+s6], $0x20, s13, s6, $0xb8;
	[tilespmem:$0x14A00] =	vst v63  }
0x4b: {  	_ = 	snop  }
0x4c: {  	[tilespmem:s16], [sflag:$0x1] =	stream.indirect.gather [hbm4b:s3+s6], $0x20, s15, s6, $0xb8;
	[tilespmem:$0x14A00] =	vst v63  }
0x4d: {  	_ = 	snop  }
0x4e: {  	[tilespmem:s18], [sflag:$0x1] =	stream.indirect.gather [hbm4b:s3+s6], $0x20, s17, s6, $0xb8;
	[tilespmem:$0x14A00] =	vst v63  }
0x4f: {  	_ = 	snop  }
0x50: {  	[tilespmem:s20], [sflag:$0x1] =	stream.indirect.gather [hbm4b:s3+s6], $0x20, s19, s6, $0xb8;
	[tilespmem:$0x14A00] =	vst v63  }
0x51: {  	_ = 	snop  }
0x52: {  	[tilespmem:s22], [sflag:$0x1] =	stream.indirect.gather [hbm4b:s3+s6], $0x20, s21, s6, $0xb8;
	[tilespmem:$0x14A00] =	vst v63  }
0x53: {  	_ = 	snop  }
0x54: {  	[tilespmem:s24], [sflag:$0x1] =	stream.indirect.gather [hbm4b:s3+s6], $0x20, s23, s6, $0xb8;
	[tilespmem:$0x14A00] =	vst v63  }
0x55: {  	_ = 	snop  }
0x56: {  	[tilespmem:s26], [sflag:$0x1] =	stream.indirect.gather [hbm4b:s3+s6], $0x20, s25, s6, $0xb8;
	[tilespmem:$0x14A00] =	vst v63  }
0x57: {  	_ =	swait.ge [sflag:s28], $0x1000  }
0x58: {  	[sflag:s28] =	ssyncset.done $0x0  }
0x59: {  	[sflag:s28] =	ssyncadd.s32 $0xFFFFF000  }
0x5a: {  	_ =	swait.ge [sflag:s28], $0x1000  }
0x5b: {  	[sflag:s28] =	ssyncset.done $0x0  }
0x5c: {  	[sflag:s28] =	ssyncadd.s32 $0xFFFFF000  }
0x5d: {  	_ =	swait.ge [sflag:s28], $0x1000  }
0x5e: {  	[sflag:s28] =	ssyncset.done $0x0  }
0x5f: {  	[sflag:s28] =	ssyncadd.s32 $0xFFFFF000  }
0x60: {  	_ =	swait.ge [sflag:s28], $0x1000  }
0x61: {  	[sflag:s28] =	ssyncset.done $0x0  }
0x62: {  	[sflag:s28] =	ssyncadd.s32 $0xFFFFF000  }
0x63: {  	_ =	swait.ge [sflag:s28], $0x1000  }
0x64: {  	[sflag:s28] =	ssyncset.done $0x0  }
0x65: {  	[sflag:s28] =	ssyncadd.s32 $0xFFFFF000  }
0x66: {  	_ =	swait.ge [sflag:s28], $0x1000  }
0x67: {  	[sflag:s28] =	ssyncset.done $0x0  }
0x68: {  	[sflag:s28] =	ssyncadd.s32 $0xFFFFF000  }
0x69: {  	_ =	swait.ge [sflag:s28], $0x1000  }
0x6a: {  	[sflag:s28] =	ssyncset.done $0x0  }
0x6b: {  	[sflag:s28] =	ssyncadd.s32 $0xFFFFF000  }
0x6c: {  	_ =	swait.ge [sflag:s28], $0x1000  }
0x6d: {  	[sflag:s28] =	ssyncset.done $0x0  }
0x6e: {  	[sflag:s28] =	ssyncadd.s32 $0xFFFFF000  }
0x6f: {  	_ =	swait.ge [sflag:s28], $0x1000  }
0x70: {  	[sflag:s28] =	ssyncset.done $0x0  }
0x71: {  	[sflag:s28] =	ssyncadd.s32 $0xFFFFF000  }
0x72: {  	_ =	swait.ge [sflag:s28], $0x1000  }
0x73: {  	[sflag:s28] =	ssyncset.done $0x0  }
0x74: {  	[sflag:s28] =	ssyncadd.s32 $0xFFFFF000  }
0x75: {  	_ =	swait.ge [sflag:s28], $0x1000  }
0x76: {  	[sflag:s28] =	ssyncset.done $0x0  }
0x77: {  	[sflag:s28] =	ssyncadd.s32 $0xFFFFF000  }
0x78: {  	_ =	swait.ge [sflag:s28], $0x1000  }
0x79: {  	[sflag:s28] =	ssyncset.done $0x0  }
0x7a: {  	[sflag:s28] =	ssyncadd.s32 $0xFFFFF000  }
0x7b: {  	_ =	swait.ge [sflag:s28], $0x1000  }
0x7c: {  	[sflag:s28] =	ssyncset.done $0x0  }
0x7d: {  	[sflag:s28] =	ssyncadd.s32 $0xFFFFF000  }
0x7e: {  	_ =	swait.ge [sflag:s28], $0x1000  }
0x7f: {  	[sflag:s28] =	ssyncset.done $0x0  }
0x80: {  	[sflag:s28] =	ssyncadd.s32 $0xFFFFF000  }
0x81: {  	_ =	swait.ge [sflag:s28], $0x1000  }
0x82: {  	[sflag:s28] =	ssyncset.done $0x0  }
0x83: {  	[sflag:s28] =	ssyncadd.s32 $0xFFFFF000  }
0x84: {  	_ =	swait.ge [sflag:s28], $0x1000  }
0x85: {  	[sflag:s28] =	ssyncset.done $0x0  }
0x86: {  	[sflag:s28] =	ssyncadd.s32 $0xFFFFF000  }
0x87: {  	_ =	swait.ge [sflag:s28], $0x1000  }
0x88: {  	[sflag:s28] =	ssyncset.done $0x0  }
0x89: {  	[sflag:s28] =	ssyncadd.s32 $0xFFFFF000  }
0x8a: {  	_ =	swait.ge [sflag:s28], $0x1000  }
0x8b: {  	[sflag:s28] =	ssyncset.done $0x0  }
0x8c: {  	[sflag:s28] =	ssyncadd.s32 $0xFFFFF000  }
0x8d: {  	_ =	swait.ge [sflag:s28], $0x1000  }
0x8e: {  	s5 =	rddreg [dreg:$0x19]  }
0x8f: {  	s0 =	simm.s32 $0x10;
	s1 =	smov.u32 s5  }
.LBB2_2:
0x90: {  	[sflag:s28] =	ssyncset.done $0x0  }
0x91: {  	[sflag:s28] =	ssyncadd.s32 $0xFFFFF000  }
0x92: {  	_ =	swait.ge [sflag:s28], $0x1000  }
0x93: {  	[sflag:s28] =	ssyncset.done $0x0  }
0x94: {  	[sflag:s28] =	ssyncadd.s32 $0xFFFFF000  }
0x95: {  	[hbm4b:s5+s29] =	stream.strided.scatter [tilespmem:s8], [sflag:$0x2], $0x14000, s30, s29, $0x38;
	[tilespmem:$0x14A00] =	vst v63  }
0x96: {  	_ =	swait.ge [sflag:s7], $0x14000  }
0x97: {  	s4 =	smov.u32 s0;
	s31 =	rddreg [dreg:$0x3];
	[sflag:s7] =	ssyncset.done $0x0  }
0x98: {  	s9 =	rddreg [dreg:$0x4];
	[sflag:s7] =	ssyncadd.s32 $0xFFFEC000;
	s4 =	sadd.s32 s4, s31  }
0x99: {  	[tilespmem:s2], [sflag:$0x2] =	stream.strided.gather [hbm4b:s4+s6], $0xA00, s9, s6, $0x38;
	[tilespmem:$0x14A00] =	vst v63  }
0x9a: {  	_ =	swait.ge [sflag:s7], $0xA00  }
0x9b: {  	s4 =	rddreg [dreg:$0x17]  }
0x9c: {  	s9 =	rddreg [dreg:$0x15]  }
0x9d: {  	s31 =	rddreg [dreg:$0x13]  }
0x9e: {  	s10 =	rddreg [dreg:$0x11]  }
0x9f: {  	s11 =	rddreg [dreg:$0xf]  }
0xa0: {  	s12 =	rddreg [dreg:$0xd]  }
0xa1: {  	s13 =	rddreg [dreg:$0xb]  }
0xa2: {  	[sflag:s7] =	ssyncset.done $0x0;
	s14 =	rddreg [dreg:$0x6]  }
0xa3: {  	s15 =	rddreg [dreg:$0x5];
	[sflag:s7] =	ssyncadd.s32 $0xFFFFF600  }
0xa4: {  	[tilespmem:s8], [sflag:$0x1] =	stream.indirect.gather [hbm4b:s3+s6], $0x20, s2, s6, $0xb8;
	[tilespmem:$0x14A00] =	vst v63  }
0xa5: {  	s16 =	rddreg [dreg:$0x7]  }
0xa6: {  	[tilespmem:s15], [sflag:$0x1] =	stream.indirect.gather [hbm4b:s3+s6], $0x20, s6, s6, $0xb8;
	[tilespmem:$0x14A00] =	vst v63  }
0xa7: {  	s17 =	rddreg [dreg:$0x9]  }
0xa8: {  	[tilespmem:s16], [sflag:$0x1] =	stream.indirect.gather [hbm4b:s3+s6], $0x20, s14, s6, $0xb8;
	[tilespmem:$0x14A00] =	vst v63  }
0xa9: {  	s15 =	rddreg [dreg:$0x8]  }
0xaa: {  	[tilespmem:s17], [sflag:$0x1] =	stream.indirect.gather [hbm4b:s3+s6], $0x20, s15, s6, $0xb8;
	[tilespmem:$0x14A00] =	vst v63  }
0xab: {  	s14 =	rddreg [dreg:$0xa]  }
0xac: {  	[tilespmem:s13], [sflag:$0x1] =	stream.indirect.gather [hbm4b:s3+s6], $0x20, s14, s6, $0xb8;
	[tilespmem:$0x14A00] =	vst v63  }
0xad: {  	s15 =	rddreg [dreg:$0xc]  }
0xae: {  	[tilespmem:s12], [sflag:$0x1] =	stream.indirect.gather [hbm4b:s3+s6], $0x20, s15, s6, $0xb8;
	[tilespmem:$0x14A00] =	vst v63  }
0xaf: {  	s13 =	rddreg [dreg:$0xe]  }
0xb0: {  	[tilespmem:s11], [sflag:$0x1] =	stream.indirect.gather [hbm4b:s3+s6], $0x20, s13, s6, $0xb8;
	[tilespmem:$0x14A00] =	vst v63  }
0xb1: {  	s12 =	rddreg [dreg:$0x10]  }
0xb2: {  	[tilespmem:s10], [sflag:$0x1] =	stream.indirect.gather [hbm4b:s3+s6], $0x20, s12, s6, $0xb8;
	[tilespmem:$0x14A00] =	vst v63  }
0xb3: {  	s11 =	rddreg [dreg:$0x12]  }
0xb4: {  	[tilespmem:s31], [sflag:$0x1] =	stream.indirect.gather [hbm4b:s3+s6], $0x20, s11, s6, $0xb8;
	[tilespmem:$0x14A00] =	vst v63  }
0xb5: {  	s10 =	rddreg [dreg:$0x14]  }
0xb6: {  	[tilespmem:s9], [sflag:$0x1] =	stream.indirect.gather [hbm4b:s3+s6], $0x20, s10, s6, $0xb8;
	[tilespmem:$0x14A00] =	vst v63  }
0xb7: {  	s31 =	rddreg [dreg:$0x16]  }
0xb8: {  	[tilespmem:s4], [sflag:$0x1] =	stream.indirect.gather [hbm4b:s3+s6], $0x20, s31, s6, $0xb8;
	[tilespmem:$0x14A00] =	vst v63  }
0xb9: {  	s10 =	simm.s32 $0xBA00;
	s9 =	simm.s32 $0x580  }
0xba: {  	[tilespmem:s10], [sflag:$0x1] =	stream.indirect.gather [hbm4b:s3+s6], $0x20, s9, s6, $0xb8;
	[tilespmem:$0x14A00] =	vst v63  }
0xbb: {  	s12 =	simm.s32 $0xCA00;
	s11 =	simm.s32 $0x600  }
0xbc: {  	[tilespmem:s12], [sflag:$0x1] =	stream.indirect.gather [hbm4b:s3+s6], $0x20, s11, s6, $0xb8;
	[tilespmem:$0x14A00] =	vst v63  }
0xbd: {  	s14 =	simm.s32 $0xDA00;
	s13 =	simm.s32 $0x680  }
0xbe: {  	[tilespmem:s14], [sflag:$0x1] =	stream.indirect.gather [hbm4b:s3+s6], $0x20, s13, s6, $0xb8;
	[tilespmem:$0x14A00] =	vst v63  }
0xbf: {  	s16 =	simm.s32 $0xEA00;
	s15 =	simm.s32 $0x700  }
0xc0: {  	[tilespmem:s16], [sflag:$0x1] =	stream.indirect.gather [hbm4b:s3+s6], $0x20, s15, s6, $0xb8;
	[tilespmem:$0x14A00] =	vst v63  }
0xc1: {  	s17 =	simm.s32 $0x780  }
0xc2: {  	[tilespmem:s18], [sflag:$0x1] =	stream.indirect.gather [hbm4b:s3+s6], $0x20, s17, s6, $0xb8;
	[tilespmem:$0x14A00] =	vst v63  }
0xc3: {  	_ = 	snop  }
0xc4: {  	[tilespmem:s20], [sflag:$0x1] =	stream.indirect.gather [hbm4b:s3+s6], $0x20, s19, s6, $0xb8;
	[tilespmem:$0x14A00] =	vst v63  }
0xc5: {  	_ = 	snop  }
0xc6: {  	[tilespmem:s22], [sflag:$0x1] =	stream.indirect.gather [hbm4b:s3+s6], $0x20, s21, s6, $0xb8;
	[tilespmem:$0x14A00] =	vst v63  }
0xc7: {  	_ = 	snop  }
0xc8: {  	[tilespmem:s24], [sflag:$0x1] =	stream.indirect.gather [hbm4b:s3+s6], $0x20, s23, s6, $0xb8;
	[tilespmem:$0x14A00] =	vst v63  }
0xc9: {  	_ = 	snop  }
0xca: {  	[tilespmem:s26], [sflag:$0x1] =	stream.indirect.gather [hbm4b:s3+s6], $0x20, s25, s6, $0xb8;
	[tilespmem:$0x14A00] =	vst v63  }
0xcb: {  	_ =	swait.ge [sflag:s28], $0x1000  }
0xcc: {  	[sflag:s28] =	ssyncset.done $0x0  }
0xcd: {  	[sflag:s28] =	ssyncadd.s32 $0xFFFFF000  }
0xce: {  	_ =	swait.ge [sflag:s28], $0x1000  }
0xcf: {  	[sflag:s28] =	ssyncset.done $0x0  }
0xd0: {  	[sflag:s28] =	ssyncadd.s32 $0xFFFFF000  }
0xd1: {  	_ =	swait.ge [sflag:s28], $0x1000  }
0xd2: {  	[sflag:s28] =	ssyncset.done $0x0  }
0xd3: {  	[sflag:s28] =	ssyncadd.s32 $0xFFFFF000  }
0xd4: {  	_ =	swait.ge [sflag:s28], $0x1000  }
0xd5: {  	[sflag:s28] =	ssyncset.done $0x0  }
0xd6: {  	[sflag:s28] =	ssyncadd.s32 $0xFFFFF000  }
0xd7: {  	_ =	swait.ge [sflag:s28], $0x1000  }
0xd8: {  	[sflag:s28] =	ssyncset.done $0x0  }
0xd9: {  	[sflag:s28] =	ssyncadd.s32 $0xFFFFF000  }
0xda: {  	_ =	swait.ge [sflag:s28], $0x1000  }
0xdb: {  	[sflag:s28] =	ssyncset.done $0x0  }
0xdc: {  	[sflag:s28] =	ssyncadd.s32 $0xFFFFF000  }
0xdd: {  	_ =	swait.ge [sflag:s28], $0x1000  }
0xde: {  	[sflag:s28] =	ssyncset.done $0x0  }
0xdf: {  	[sflag:s28] =	ssyncadd.s32 $0xFFFFF000  }
0xe0: {  	_ =	swait.ge [sflag:s28], $0x1000  }
0xe1: {  	[sflag:s28] =	ssyncset.done $0x0  }
0xe2: {  	[sflag:s28] =	ssyncadd.s32 $0xFFFFF000  }
0xe3: {  	_ =	swait.ge [sflag:s28], $0x1000  }
0xe4: {  	[sflag:s28] =	ssyncset.done $0x0  }
0xe5: {  	[sflag:s28] =	ssyncadd.s32 $0xFFFFF000  }
0xe6: {  	_ =	swait.ge [sflag:s28], $0x1000  }
0xe7: {  	[sflag:s28] =	ssyncset.done $0x0  }
0xe8: {  	[sflag:s28] =	ssyncadd.s32 $0xFFFFF000  }
0xe9: {  	_ =	swait.ge [sflag:s28], $0x1000  }
0xea: {  	[sflag:s28] =	ssyncset.done $0x0  }
0xeb: {  	[sflag:s28] =	ssyncadd.s32 $0xFFFFF000  }
0xec: {  	_ =	swait.ge [sflag:s28], $0x1000  }
0xed: {  	[sflag:s28] =	ssyncset.done $0x0  }
0xee: {  	[sflag:s28] =	ssyncadd.s32 $0xFFFFF000  }
0xef: {  	_ =	swait.ge [sflag:s28], $0x1000  }
0xf0: {  	[sflag:s28] =	ssyncset.done $0x0  }
0xf1: {  	[sflag:s28] =	ssyncadd.s32 $0xFFFFF000  }
0xf2: {  	_ =	swait.ge [sflag:s28], $0x1000  }
0xf3: {  	[sflag:s28] =	ssyncset.done $0x0  }
0xf4: {  	[sflag:s28] =	ssyncadd.s32 $0xFFFFF000  }
0xf5: {  	_ =	swait.ge [sflag:s28], $0x1000  }
0xf6: {  	[sflag:s28] =	ssyncset.done $0x0  }
0xf7: {  	[sflag:s28] =	ssyncadd.s32 $0xFFFFF000  }
0xf8: {  	_ =	swait.ge [sflag:s28], $0x1000  }
0xf9: {  	[sflag:s28] =	ssyncset.done $0x0  }
0xfa: {  	[sflag:s28] =	ssyncadd.s32 $0xFFFFF000  }
0xfb: {  	_ =	swait.ge [sflag:s28], $0x1000  }
0xfc: {  	p0 =	sne.s32 s0, $0x30;
	[sflag:s28] =	ssyncset.done $0x0  }
.Ltmp0:
0xfd: {  	[sflag:s28] =	ssyncadd.s32 $0xFFFFF000;
	(pc) =	sbr.rel @p0 .LBB2_2-.Ltmp0, $4  }
0xfe: {  	_ =	swait.ge [sflag:s28], $0x1000  }
0xff: {  	[sflag:s28] =	ssyncset.done $0x0  }
0x100: {  	s1 =	sadd.s32 $0x200, s1;
	[sflag:s28] =	ssyncadd.s32 $0xFFFFF000  }
0x101: {  	s0 =	sadd.s32 $0x10, s0;
	s5 =	smov.u32 s1;
	_ =	swait.ge [sflag:s28], $0x1000  }
0x102: {  	[sflag:s28] =	ssyncset.done $0x0  }
0x103: {  	[sflag:s28] =	ssyncadd.s32 $0xFFFFF000  }
0x104: {  	_ =	swait.ge [sflag:s28], $0x1000  }
0x105: {  	[sflag:s28] =	ssyncset.done $0x0  }
0x106: {  	[sflag:s28] =	ssyncadd.s32 $0xFFFFF000  }
0x107: {  	[hbm4b:s5+s29] =	stream.strided.scatter [tilespmem:s8], [sflag:$0x2], $0x14000, s30, s29, $0x38;
	[tilespmem:$0x14A00] =	vst v63  }
0x108: {  	_ =	swait.ge [sflag:s7], $0x14000  }
0x109: {  	s1 =	rddreg [dreg:$0x1a]  }
0x10a: {  	s0 =	rddreg [dreg:$0x18];
	s1 =	sadd.s32 $0x1, s1  }
0x10b: {  	p0 =	sne.s32 s1, s0  }
.Ltmp1:
0x10c: {  	_ = 	snop;
	(pc) =	sbr.rel @p0 .LBB2_1-.Ltmp1, $3  }
0x10d: {  	_ =	sdelay $0x1  }
0x10e: {  	[sflag:s7] =	ssyncset.done $0x0  }
0x10f: {  	[sflag:s7] =	ssyncadd.s32 $0xFFFEC000  }
0x110: {  	_ =	sfence.sel $0x180000  }
0x111: {  	[bflag:$0x0] =	sbarrier.arrive $0xFFFF  }
0x112: {  	_ =	strace $0x90000047  }
0x113: {  	s0 =	stileid.u32;
	[bflag:$0x2] =	sbarrier.arrive $0xFFFF  }
0x114: {  	p0 =	sne.s32 s0, $0x0;
	s0 =	rddreg [dreg:$0x2]  }
0x115: {  	s0 =	sadd.s32 @!p0 $0x100000, s0  }
0x116: {  	[sflag:s0] =	ssyncadd.tile.s32 @!p0 $0x1;
	_ =	shalt  }
.Lfunc_end2:
_tile_overlayer_lowered:
.L_overlay_start_2:
0x117: {  	(tag) =	ssettag $0x2  }
0x118: {  	s0 =	rddreg [dreg:$0x0];
	s2 =	stileid.u32  }
0x119: {  	s1 =	rddreg [dreg:$0x1];
	p0 =	sne.s32 s2, $0x0  }
0x11a: {  	s3 =	rddreg [dreg:$0x2];
	[bflag:$0x3] =	sbarrier.arrive $0xFFFF;
	s2 =	simm.s32 @!p0 $0x1C02  }
0x11b: {  	[timem:s3], [sflag:s2] =	dma.local @!p0 [hbm:s0], s1  }
0x11c: {  	s0 =	simm.s32 @!p0 $0x2  }
0x11d: {  	_ =	swait.ge @!p0 [sflag:s0], s1  }
0x11e: {  	s1 =	ssub.s32 @!p0 $0x0, s1;
	[sflag:s0] =	ssyncset.done @!p0 $0x0  }
0x11f: {  	[sflag:s0] =	ssyncadd.s32 @!p0 s1  }
0x120: {  	[bflag:$0x3] =	sbarrier.arrive $0xFFFF  }
0x121: {  	_ =	shalt  }

</sc_bundles>
